<compile_context>
chip_gen: v7x
topology: tpu7x:2x2x1
jax: 0.10.2.dev20260603
libtpu: 0.0.44.dev20260713+nightly
codegen_flags: <defaults>
</compile_context>

<pallas_src>
import jax
import jax.numpy as jnp
from jax import lax
from jax.experimental import pallas as pl
from jax.experimental.pallas import tpu as pltpu
from jax.experimental.pallas import tpu_sc as plsc

_CHUNK = 128
_LANES = 128
_TBLOCK = 32768


def _padT_block(x_ref, o_ref):
    feat = x_ref.shape[0]
    o_ref[:, :feat] = x_ref[...].T


def _pad_transpose(emb_t):
    feat, num = emb_t.shape
    grid = (num + _TBLOCK - 1) // _TBLOCK
    return pl.pallas_call(
        _padT_block,
        grid=(grid,),
        in_specs=[pl.BlockSpec((feat, _TBLOCK), lambda i: (0, i))],
        out_specs=pl.BlockSpec((_TBLOCK, _LANES), lambda i: (i, 0)),
        out_shape=jax.ShapeDtypeStruct((num, _LANES), emb_t.dtype),
        compiler_params=pltpu.CompilerParams(
            dimension_semantics=("parallel",)),
    )(emb_t)


def kernel(input_ids, embedding):
    batch, hist = input_ids.shape
    num_idx = batch * hist
    num_emb, features = embedding.shape

    info = plsc.get_sparse_core_info()
    n_workers = info.num_cores * info.num_subcores
    per_w = num_idx // n_workers
    n_chunks = per_w // _CHUNK

    idx = input_ids.reshape(n_workers, n_chunks, _CHUNK).astype(jnp.int32)
    emb_wide = _pad_transpose(embedding.T)

    mesh = plsc.VectorSubcoreMesh(core_axis_name="c", subcore_axis_name="s")

    @jax.jit
    def gather(emb, ids):
        @pl.kernel(
            out_type=jax.ShapeDtypeStruct((num_idx, _LANES), emb.dtype),
            mesh=mesh,
            scratch_types=[
                pltpu.VMEM((n_chunks, _CHUNK), jnp.int32),
                pltpu.VMEM((4, _CHUNK, _LANES), jnp.float32),
                pltpu.SemaphoreType.DMA((4,)),
                pltpu.SemaphoreType.DMA((4,)),
            ],
        )
        def gather_kernel(emb_hbm, idx_hbm, out_hbm, idx_v, bufs, gsem, wsem):
            wid = lax.axis_index("s") * info.num_cores + lax.axis_index("c")
            base = wid * per_w
            pltpu.sync_copy(idx_hbm.at[wid], idx_v)

            def g_start(c, b):
                pltpu.async_copy(
                    emb_hbm.at[idx_v.at[c]], bufs.at[b], gsem.at[b])

            def g_drain(b):
                pltpu.make_async_copy(
                    emb_hbm.at[idx_v.at[0]], bufs.at[b], gsem.at[b]).wait()

            def w_start(c, b):
                pltpu.async_copy(
                    bufs.at[b],
                    out_hbm.at[pl.ds(base + c * _CHUNK, _CHUNK)],
                    wsem.at[b])

            def w_drain(b):
                pltpu.make_async_copy(
                    bufs.at[b], out_hbm.at[pl.ds(base, _CHUNK)],
                    wsem.at[b]).wait()

            g_start(0, 0)
            g_start(1, 1)

            @pl.loop(0, n_chunks - 4, step=4)
            def _(g):
                g_drain(0)
                w_start(g + 0, 0)
                g_drain(1)
                w_start(g + 1, 1)

                @pl.when(g > 0)
                def _():
                    w_drain(2)
                    w_drain(3)

                g_start(g + 2, 2)
                g_start(g + 3, 3)
                g_drain(2)
                w_start(g + 2, 2)
                g_drain(3)
                w_start(g + 3, 3)
                w_drain(0)
                w_drain(1)
                g_start(g + 4, 0)
                g_start(g + 5, 1)

            e = n_chunks - 4
            g_drain(0)
            w_start(e + 0, 0)
            g_drain(1)
            w_start(e + 1, 1)
            w_drain(2)
            w_drain(3)
            g_start(e + 2, 2)
            g_start(e + 3, 3)
            g_drain(2)
            w_start(e + 2, 2)
            g_drain(3)
            w_start(e + 3, 3)
            w_drain(0)
            w_drain(1)
            w_drain(2)
            w_drain(3)

        return gather_kernel(emb, ids)

    out = gather(emb_wide, idx)
    return out[:, :features].reshape(batch, hist, features)

# --- scband reference (transcript-rebuilt; emitter-appended) ---
"""Pipeline reference for scband-embed-40527311405056 (READ-ONLY COPY).

The authoritative reference and input builder live on the scoring server;
editing this copy changes nothing except your own understanding.
"""

import jax, jax.numpy as jnp
import numpy as np

NUM_EMBEDDINGS = 1000000
FEATURES = 64
BATCH = 4096
HIST = 200


def setup_inputs(seed: int = 0) -> dict:
    key = jax.random.key(seed)
    k_idx, k_emb = jax.random.split(key)
    input_ids = jax.random.randint(k_idx, (BATCH, HIST), 0, NUM_EMBEDDINGS, dtype=jnp.int64)
    embedding = jax.random.normal(k_emb, (NUM_EMBEDDINGS, FEATURES), dtype=jnp.float32) * 0.02
    return {"input_ids": input_ids, "embedding": embedding}


def reference(input_ids, embedding):
    # Faithful translation of Embed.__call__: jnp.take(table, ids, axis=0).
    # (mesh sharding constraint is a no-op on a single host and is omitted.)
    output = jnp.take(embedding, input_ids, axis=0)
    return output

if __name__ == "__main__":
    import jax
    _d = setup_inputs()
    print(jax.jit(kernel)(*tuple(_d.values())))

</pallas_src>

<mosaic_0001>
#map = affine_map<(d0, d1) -> (0, 0)>
#map1 = affine_map<(d0, d1) -> (0, 0, 0)>
module attributes {stable_mosaic.version = 14 : i64} {
  func.func @gather_kernel(%arg0: i32, %arg1: i32, %arg2: memref<1000000x128xf32, #tpu.memory_space<hbm>>, %arg3: memref<32x200x128xi32, #tpu.memory_space<hbm>>, %arg4: memref<819200x128xf32, #tpu.memory_space<hbm>>, %arg5: memref<200x128xi32, #tpu.memory_space<vmem>>, %arg6: memref<4x128x128xf32, #tpu.memory_space<vmem>>, %arg7: memref<4x!tpu.dma_semaphore, #tpu.memory_space<semaphore_mem>>, %arg8: memref<4x!tpu.dma_semaphore, #tpu.memory_space<semaphore_mem>>) attributes {dimension_semantics = [#tpu.dimension_semantics<core_parallel>, #tpu.dimension_semantics<subcore_parallel>], iteration_bounds = array<i64: 2, 16>, scalar_prefetch = 0 : i64, scratch_operands = 4 : i64, tpu.core_type = #tpu.core_type<sc_vector_subcore>, window_params = [{transform_indices = #map}, {transform_indices = #map1}, {transform_indices = #map}]} {
    %mul3A = arith.constant 2 : i32
    %mul3A_0 = arith.muli %arg1, %mul3A : i32
    %add3A = arith.addi %mul3A_0, %arg0 : i32
    %mul3A_1 = arith.constant 25600 : i32
    %mul3A_2 = arith.muli %add3A, %mul3A_1 : i32
    "tpu.region"() ({
      %run_scoped3A = tpu.sem_alloc : memref<!tpu.dma_semaphore, #tpu.memory_space<semaphore_mem>>
      %dma_start3A_293 = arith.constant 0 : i32
      %dma_start3A_294 = arith.constant 0 : i32
      %dma_start3A_295 = tpu.memref_slice %arg3[%add3A, %dma_start3A_293, %dma_start3A_294] : memref<32x200x128xi32, #tpu.memory_space<hbm>> -> memref<1x200x128xi32, #tpu.memory_space<hbm>>
      %dma_start3A_296 = tpu.memref_squeeze %dma_start3A_295 : memref<1x200x128xi32, #tpu.memory_space<hbm>> -> memref<200x128xi32, #tpu.memory_space<hbm>>
      %dma_start3A_297 = arith.constant 0 : i32
      %dma_start3A_298 = arith.constant 0 : i32
      %dma_start3A_299 = tpu.memref_slice %arg3[%add3A, %dma_start3A_297, %dma_start3A_298] : memref<32x200x128xi32, #tpu.memory_space<hbm>> -> memref<1x200x128xi32, #tpu.memory_space<hbm>>
      %dma_start3A_300 = tpu.memref_squeeze %dma_start3A_299 : memref<1x200x128xi32, #tpu.memory_space<hbm>> -> memref<200x128xi32, #tpu.memory_space<hbm>>
      tpu.enqueue_dma source(%dma_start3A_300 : memref<200x128xi32, #tpu.memory_space<hbm>>) target(%arg5 : memref<200x128xi32, #tpu.memory_space<vmem>>) target_semaphore(%run_scoped3A : memref<!tpu.dma_semaphore, #tpu.memory_space<semaphore_mem>>)
      %dma_wait3A_301 = arith.constant 0 : i32
      %dma_wait3A_302 = arith.constant 0 : i32
      %dma_wait3A_303 = tpu.memref_slice %arg3[%add3A, %dma_wait3A_301, %dma_wait3A_302] : memref<32x200x128xi32, #tpu.memory_space<hbm>> -> memref<1x200x128xi32, #tpu.memory_space<hbm>>
      %dma_wait3A_304 = tpu.memref_squeeze %dma_wait3A_303 : memref<1x200x128xi32, #tpu.memory_space<hbm>> -> memref<200x128xi32, #tpu.memory_space<hbm>>
      %dma_wait3A_305 = arith.constant 0 : i32
      %dma_wait3A_306 = arith.constant 0 : i32
      %dma_wait3A_307 = tpu.memref_slice %arg3[%add3A, %dma_wait3A_305, %dma_wait3A_306] : memref<32x200x128xi32, #tpu.memory_space<hbm>> -> memref<1x200x128xi32, #tpu.memory_space<hbm>>
      %dma_wait3A_308 = tpu.memref_squeeze %dma_wait3A_307 : memref<1x200x128xi32, #tpu.memory_space<hbm>> -> memref<200x128xi32, #tpu.memory_space<hbm>>
      tpu.wait_dma2 semaphore(%run_scoped3A : memref<!tpu.dma_semaphore, #tpu.memory_space<semaphore_mem>>) src(%dma_wait3A_308 : memref<200x128xi32, #tpu.memory_space<hbm>>) dst(%arg5 : memref<200x128xi32, #tpu.memory_space<vmem>>)
      tpu.yield
    }) : () -> ()
    %dma_start3A = arith.constant 0 : i32
    %dma_start3A_3 = arith.constant 0 : i32
    %dma_start3A_4 = arith.constant 0 : i32
    %dma_start3A_5 = arith.constant 0 : i32
    %dma_start3A_6 = arith.constant 0 : i32
    %dma_start3A_7 = tpu.memref_slice %arg6[%dma_start3A_3, %dma_start3A_5, %dma_start3A_6] : memref<4x128x128xf32, #tpu.memory_space<vmem>> -> memref<1x128x128xf32, #tpu.memory_space<vmem>>
    %dma_start3A_8 = tpu.memref_squeeze %dma_start3A_7 : memref<1x128x128xf32, #tpu.memory_space<vmem>> -> memref<128x128xf32, #tpu.memory_space<vmem>>
    %dma_start3A_9 = arith.constant 0 : i32
    %dma_start3A_10 = tpu.memref_slice %arg5[%dma_start3A, %dma_start3A_9] : memref<200x128xi32, #tpu.memory_space<vmem>> -> memref<1x128xi32, #tpu.memory_space<vmem>>
    %dma_start3A_11 = tpu.memref_squeeze %dma_start3A_10 : memref<1x128xi32, #tpu.memory_space<vmem>> -> memref<128xi32, #tpu.memory_space<vmem>>
    %dma_start3A_12 = arith.constant 0 : i32
    %dma_start3A_13 = arith.constant 0 : i32
    %dma_start3A_14 = tpu.memref_slice %arg2[%dma_start3A_12, %dma_start3A_13] : memref<1000000x128xf32, #tpu.memory_space<hbm>> -> memref<1000000x128xf32, #tpu.memory_space<hbm>>
    %dma_start3A_15 = tpu.memref_slice %arg7[%dma_start3A_4] : memref<4x!tpu.dma_semaphore, #tpu.memory_space<semaphore_mem>> -> memref<1x!tpu.dma_semaphore, #tpu.memory_space<semaphore_mem>>
    %dma_start3A_16 = tpu.memref_squeeze %dma_start3A_15 : memref<1x!tpu.dma_semaphore, #tpu.memory_space<semaphore_mem>> -> memref<!tpu.dma_semaphore, #tpu.memory_space<semaphore_mem>>
    tpu.enqueue_indirect_dma source(%dma_start3A_14 : memref<1000000x128xf32, #tpu.memory_space<hbm>>) target(%dma_start3A_8 : memref<128x128xf32, #tpu.memory_space<vmem>>) offsets(%dma_start3A_11 : memref<128xi32, #tpu.memory_space<vmem>>) semaphore(%dma_start3A_16 : memref<!tpu.dma_semaphore, #tpu.memory_space<semaphore_mem>>)
    %dma_start3A_17 = arith.constant 1 : i32
    %dma_start3A_18 = arith.constant 1 : i32
    %dma_start3A_19 = arith.constant 1 : i32
    %dma_start3A_20 = arith.constant 0 : i32
    %dma_start3A_21 = arith.constant 0 : i32
    %dma_start3A_22 = tpu.memref_slice %arg6[%dma_start3A_18, %dma_start3A_20, %dma_start3A_21] : memref<4x128x128xf32, #tpu.memory_space<vmem>> -> memref<1x128x128xf32, #tpu.memory_space<vmem>>
    %dma_start3A_23 = tpu.memref_squeeze %dma_start3A_22 : memref<1x128x128xf32, #tpu.memory_space<vmem>> -> memref<128x128xf32, #tpu.memory_space<vmem>>
    %dma_start3A_24 = arith.constant 0 : i32
    %dma_start3A_25 = tpu.memref_slice %arg5[%dma_start3A_17, %dma_start3A_24] : memref<200x128xi32, #tpu.memory_space<vmem>> -> memref<1x128xi32, #tpu.memory_space<vmem>>
    %dma_start3A_26 = tpu.memref_squeeze %dma_start3A_25 : memref<1x128xi32, #tpu.memory_space<vmem>> -> memref<128xi32, #tpu.memory_space<vmem>>
    %dma_start3A_27 = arith.constant 0 : i32
    %dma_start3A_28 = arith.constant 0 : i32
    %dma_start3A_29 = tpu.memref_slice %arg2[%dma_start3A_27, %dma_start3A_28] : memref<1000000x128xf32, #tpu.memory_space<hbm>> -> memref<1000000x128xf32, #tpu.memory_space<hbm>>
    %dma_start3A_30 = tpu.memref_slice %arg7[%dma_start3A_19] : memref<4x!tpu.dma_semaphore, #tpu.memory_space<semaphore_mem>> -> memref<1x!tpu.dma_semaphore, #tpu.memory_space<semaphore_mem>>
    %dma_start3A_31 = tpu.memref_squeeze %dma_start3A_30 : memref<1x!tpu.dma_semaphore, #tpu.memory_space<semaphore_mem>> -> memref<!tpu.dma_semaphore, #tpu.memory_space<semaphore_mem>>
    tpu.enqueue_indirect_dma source(%dma_start3A_29 : memref<1000000x128xf32, #tpu.memory_space<hbm>>) target(%dma_start3A_23 : memref<128x128xf32, #tpu.memory_space<vmem>>) offsets(%dma_start3A_26 : memref<128xi32, #tpu.memory_space<vmem>>) semaphore(%dma_start3A_31 : memref<!tpu.dma_semaphore, #tpu.memory_space<semaphore_mem>>)
    %scan3A = arith.constant 0 : i32
    %scan3A_32 = arith.constant 49 : i32
    %scan3A_33 = arith.addi %scan3A, %scan3A_32 : i32
    %scan3A_34 = arith.constant 1 : i32
    scf.for %scan3A_293 = %scan3A to %scan3A_33 step %scan3A_34  : i32 {
      %mul3A_294 = arith.constant 4 : i32
      %mul3A_295 = arith.muli %scan3A_293, %mul3A_294 : i32
      %add3A_296 = arith.constant 0 : i32
      %add3A_297 = arith.addi %add3A_296, %mul3A_295 : i32
      %dma_wait3A_298 = arith.constant 0 : i32
      %dma_wait3A_299 = arith.constant 0 : i32
      %dma_wait3A_300 = arith.constant 0 : i32
      %dma_wait3A_301 = arith.constant 0 : i32
      %dma_wait3A_302 = arith.constant 0 : i32
      %dma_wait3A_303 = tpu.memref_slice %arg6[%dma_wait3A_299, %dma_wait3A_301, %dma_wait3A_302] : memref<4x128x128xf32, #tpu.memory_space<vmem>> -> memref<1x128x128xf32, #tpu.memory_space<vmem>>
      %dma_wait3A_304 = tpu.memref_squeeze %dma_wait3A_303 : memref<1x128x128xf32, #tpu.memory_space<vmem>> -> memref<128x128xf32, #tpu.memory_space<vmem>>
      %dma_wait3A_305 = arith.constant 0 : i32
      %dma_wait3A_306 = tpu.memref_slice %arg5[%dma_wait3A_298, %dma_wait3A_305] : memref<200x128xi32, #tpu.memory_space<vmem>> -> memref<1x128xi32, #tpu.memory_space<vmem>>
      %dma_wait3A_307 = tpu.memref_squeeze %dma_wait3A_306 : memref<1x128xi32, #tpu.memory_space<vmem>> -> memref<128xi32, #tpu.memory_space<vmem>>
      %dma_wait3A_308 = arith.constant 0 : i32
      %dma_wait3A_309 = arith.constant 0 : i32
      %dma_wait3A_310 = tpu.memref_slice %arg2[%dma_wait3A_308, %dma_wait3A_309] : memref<1000000x128xf32, #tpu.memory_space<hbm>> -> memref<1000000x128xf32, #tpu.memory_space<hbm>>
      %dma_wait3A_311 = tpu.memref_slice %arg7[%dma_wait3A_300] : memref<4x!tpu.dma_semaphore, #tpu.memory_space<semaphore_mem>> -> memref<1x!tpu.dma_semaphore, #tpu.memory_space<semaphore_mem>>
      %dma_wait3A_312 = tpu.memref_squeeze %dma_wait3A_311 : memref<1x!tpu.dma_semaphore, #tpu.memory_space<semaphore_mem>> -> memref<!tpu.dma_semaphore, #tpu.memory_space<semaphore_mem>>
      tpu.wait_indirect_dma semaphore(%dma_wait3A_312 : memref<!tpu.dma_semaphore, #tpu.memory_space<semaphore_mem>>) src(%dma_wait3A_310 : memref<1000000x128xf32, #tpu.memory_space<hbm>>) dst(%dma_wait3A_304 : memref<128x128xf32, #tpu.memory_space<vmem>>)
      %add3A_313 = arith.constant 0 : i32
      %add3A_314 = arith.addi %add3A_297, %add3A_313 : i32
      %mul3A_315 = arith.constant 128 : i32
      %mul3A_316 = arith.muli %add3A_314, %mul3A_315 : i32
      %add3A_317 = arith.addi %mul3A_2, %mul3A_316 : i32
      %dma_start3A_318 = arith.constant 0 : i32
      %dma_start3A_319 = arith.constant 0 : i32
      %dma_start3A_320 = arith.constant 0 : i32
      %dma_start3A_321 = arith.constant 0 : i32
      %dma_start3A_322 = tpu.memref_slice %arg6[%dma_start3A_318, %dma_start3A_320, %dma_start3A_321] : memref<4x128x128xf32, #tpu.memory_space<vmem>> -> memref<1x128x128xf32, #tpu.memory_space<vmem>>
      %dma_start3A_323 = tpu.memref_squeeze %dma_start3A_322 : memref<1x128x128xf32, #tpu.memory_space<vmem>> -> memref<128x128xf32, #tpu.memory_space<vmem>>
      %dma_start3A_324 = arith.constant 0 : i32
      %dma_start3A_325 = tpu.memref_slice %arg4[%add3A_317, %dma_start3A_324] : memref<819200x128xf32, #tpu.memory_space<hbm>> -> memref<128x128xf32, #tpu.memory_space<hbm>>
      %dma_start3A_326 = tpu.memref_slice %arg8[%dma_start3A_319] : memref<4x!tpu.dma_semaphore, #tpu.memory_space<semaphore_mem>> -> memref<1x!tpu.dma_semaphore, #tpu.memory_space<semaphore_mem>>
      %dma_start3A_327 = tpu.memref_squeeze %dma_start3A_326 : memref<1x!tpu.dma_semaphore, #tpu.memory_space<semaphore_mem>> -> memref<!tpu.dma_semaphore, #tpu.memory_space<semaphore_mem>>
      %dma_start3A_328 = arith.constant 0 : i32
      %dma_start3A_329 = tpu.memref_slice %arg4[%add3A_317, %dma_start3A_328] : memref<819200x128xf32, #tpu.memory_space<hbm>> -> memref<128x128xf32, #tpu.memory_space<hbm>>
      %dma_start3A_330 = arith.constant 0 : i32
      %dma_start3A_331 = arith.constant 0 : i32
      %dma_start3A_332 = tpu.memref_slice %arg6[%dma_start3A_318, %dma_start3A_330, %dma_start3A_331] : memref<4x128x128xf32, #tpu.memory_space<vmem>> -> memref<1x128x128xf32, #tpu.memory_space<vmem>>
      %dma_start3A_333 = tpu.memref_squeeze %dma_start3A_332 : memref<1x128x128xf32, #tpu.memory_space<vmem>> -> memref<128x128xf32, #tpu.memory_space<vmem>>
      tpu.enqueue_dma source(%dma_start3A_333 : memref<128x128xf32, #tpu.memory_space<vmem>>) target(%dma_start3A_329 : memref<128x128xf32, #tpu.memory_space<hbm>>) target_semaphore(%dma_start3A_327 : memref<!tpu.dma_semaphore, #tpu.memory_space<semaphore_mem>>)
      %dma_wait3A_334 = arith.constant 0 : i32
      %dma_wait3A_335 = arith.constant 1 : i32
      %dma_wait3A_336 = arith.constant 1 : i32
      %dma_wait3A_337 = arith.constant 0 : i32
      %dma_wait3A_338 = arith.constant 0 : i32
      %dma_wait3A_339 = tpu.memref_slice %arg6[%dma_wait3A_335, %dma_wait3A_337, %dma_wait3A_338] : memref<4x128x128xf32, #tpu.memory_space<vmem>> -> memref<1x128x128xf32, #tpu.memory_space<vmem>>
      %dma_wait3A_340 = tpu.memref_squeeze %dma_wait3A_339 : memref<1x128x128xf32, #tpu.memory_space<vmem>> -> memref<128x128xf32, #tpu.memory_space<vmem>>
      %dma_wait3A_341 = arith.constant 0 : i32
      %dma_wait3A_342 = tpu.memref_slice %arg5[%dma_wait3A_334, %dma_wait3A_341] : memref<200x128xi32, #tpu.memory_space<vmem>> -> memref<1x128xi32, #tpu.memory_space<vmem>>
      %dma_wait3A_343 = tpu.memref_squeeze %dma_wait3A_342 : memref<1x128xi32, #tpu.memory_space<vmem>> -> memref<128xi32, #tpu.memory_space<vmem>>
      %dma_wait3A_344 = arith.constant 0 : i32
      %dma_wait3A_345 = arith.constant 0 : i32
      %dma_wait3A_346 = tpu.memref_slice %arg2[%dma_wait3A_344, %dma_wait3A_345] : memref<1000000x128xf32, #tpu.memory_space<hbm>> -> memref<1000000x128xf32, #tpu.memory_space<hbm>>
      %dma_wait3A_347 = tpu.memref_slice %arg7[%dma_wait3A_336] : memref<4x!tpu.dma_semaphore, #tpu.memory_space<semaphore_mem>> -> memref<1x!tpu.dma_semaphore, #tpu.memory_space<semaphore_mem>>
      %dma_wait3A_348 = tpu.memref_squeeze %dma_wait3A_347 : memref<1x!tpu.dma_semaphore, #tpu.memory_space<semaphore_mem>> -> memref<!tpu.dma_semaphore, #tpu.memory_space<semaphore_mem>>
      tpu.wait_indirect_dma semaphore(%dma_wait3A_348 : memref<!tpu.dma_semaphore, #tpu.memory_space<semaphore_mem>>) src(%dma_wait3A_346 : memref<1000000x128xf32, #tpu.memory_space<hbm>>) dst(%dma_wait3A_340 : memref<128x128xf32, #tpu.memory_space<vmem>>)
      %add3A_349 = arith.constant 1 : i32
      %add3A_350 = arith.addi %add3A_297, %add3A_349 : i32
      %mul3A_351 = arith.constant 128 : i32
      %mul3A_352 = arith.muli %add3A_350, %mul3A_351 : i32
      %add3A_353 = arith.addi %mul3A_2, %mul3A_352 : i32
      %dma_start3A_354 = arith.constant 1 : i32
      %dma_start3A_355 = arith.constant 1 : i32
      %dma_start3A_356 = arith.constant 0 : i32
      %dma_start3A_357 = arith.constant 0 : i32
      %dma_start3A_358 = tpu.memref_slice %arg6[%dma_start3A_354, %dma_start3A_356, %dma_start3A_357] : memref<4x128x128xf32, #tpu.memory_space<vmem>> -> memref<1x128x128xf32, #tpu.memory_space<vmem>>
      %dma_start3A_359 = tpu.memref_squeeze %dma_start3A_358 : memref<1x128x128xf32, #tpu.memory_space<vmem>> -> memref<128x128xf32, #tpu.memory_space<vmem>>
      %dma_start3A_360 = arith.constant 0 : i32
      %dma_start3A_361 = tpu.memref_slice %arg4[%add3A_353, %dma_start3A_360] : memref<819200x128xf32, #tpu.memory_space<hbm>> -> memref<128x128xf32, #tpu.memory_space<hbm>>
      %dma_start3A_362 = tpu.memref_slice %arg8[%dma_start3A_355] : memref<4x!tpu.dma_semaphore, #tpu.memory_space<semaphore_mem>> -> memref<1x!tpu.dma_semaphore, #tpu.memory_space<semaphore_mem>>
      %dma_start3A_363 = tpu.memref_squeeze %dma_start3A_362 : memref<1x!tpu.dma_semaphore, #tpu.memory_space<semaphore_mem>> -> memref<!tpu.dma_semaphore, #tpu.memory_space<semaphore_mem>>
      %dma_start3A_364 = arith.constant 0 : i32
      %dma_start3A_365 = tpu.memref_slice %arg4[%add3A_353, %dma_start3A_364] : memref<819200x128xf32, #tpu.memory_space<hbm>> -> memref<128x128xf32, #tpu.memory_space<hbm>>
      %dma_start3A_366 = arith.constant 0 : i32
      %dma_start3A_367 = arith.constant 0 : i32
      %dma_start3A_368 = tpu.memref_slice %arg6[%dma_start3A_354, %dma_start3A_366, %dma_start3A_367] : memref<4x128x128xf32, #tpu.memory_space<vmem>> -> memref<1x128x128xf32, #tpu.memory_space<vmem>>
      %dma_start3A_369 = tpu.memref_squeeze %dma_start3A_368 : memref<1x128x128xf32, #tpu.memory_space<vmem>> -> memref<128x128xf32, #tpu.memory_space<vmem>>
      tpu.enqueue_dma source(%dma_start3A_369 : memref<128x128xf32, #tpu.memory_space<vmem>>) target(%dma_start3A_365 : memref<128x128xf32, #tpu.memory_space<hbm>>) target_semaphore(%dma_start3A_363 : memref<!tpu.dma_semaphore, #tpu.memory_space<semaphore_mem>>)
      %gt3A = arith.constant 0 : i32
      %gt3A_370 = arith.cmpi sgt, %add3A_297, %gt3A : i32
      %convert_element_type3A = arith.extui %gt3A_370 : i1 to i32
      %cond3A = arith.constant 0 : i32
      %cond3A_371 = arith.cmpi ne, %convert_element_type3A, %cond3A : i32
      scf.if %cond3A_371 {
        %dma_wait3A_540 = arith.constant 2 : i32
        %dma_wait3A_541 = arith.constant 2 : i32
        %dma_wait3A_542 = arith.constant 0 : i32
        %dma_wait3A_543 = arith.constant 0 : i32
        %dma_wait3A_544 = tpu.memref_slice %arg6[%dma_wait3A_540, %dma_wait3A_542, %dma_wait3A_543] : memref<4x128x128xf32, #tpu.memory_space<vmem>> -> memref<1x128x128xf32, #tpu.memory_space<vmem>>
        %dma_wait3A_545 = tpu.memref_squeeze %dma_wait3A_544 : memref<1x128x128xf32, #tpu.memory_space<vmem>> -> memref<128x128xf32, #tpu.memory_space<vmem>>
        %dma_wait3A_546 = arith.constant 0 : i32
        %dma_wait3A_547 = tpu.memref_slice %arg4[%mul3A_2, %dma_wait3A_546] : memref<819200x128xf32, #tpu.memory_space<hbm>> -> memref<128x128xf32, #tpu.memory_space<hbm>>
        %dma_wait3A_548 = tpu.memref_slice %arg8[%dma_wait3A_541] : memref<4x!tpu.dma_semaphore, #tpu.memory_space<semaphore_mem>> -> memref<1x!tpu.dma_semaphore, #tpu.memory_space<semaphore_mem>>
        %dma_wait3A_549 = tpu.memref_squeeze %dma_wait3A_548 : memref<1x!tpu.dma_semaphore, #tpu.memory_space<semaphore_mem>> -> memref<!tpu.dma_semaphore, #tpu.memory_space<semaphore_mem>>
        %dma_wait3A_550 = arith.constant 0 : i32
        %dma_wait3A_551 = tpu.memref_slice %arg4[%mul3A_2, %dma_wait3A_550] : memref<819200x128xf32, #tpu.memory_space<hbm>> -> memref<128x128xf32, #tpu.memory_space<hbm>>
        %dma_wait3A_552 = arith.constant 0 : i32
        %dma_wait3A_553 = arith.constant 0 : i32
        %dma_wait3A_554 = tpu.memref_slice %arg6[%dma_wait3A_540, %dma_wait3A_552, %dma_wait3A_553] : memref<4x128x128xf32, #tpu.memory_space<vmem>> -> memref<1x128x128xf32, #tpu.memory_space<vmem>>
        %dma_wait3A_555 = tpu.memref_squeeze %dma_wait3A_554 : memref<1x128x128xf32, #tpu.memory_space<vmem>> -> memref<128x128xf32, #tpu.memory_space<vmem>>
        tpu.wait_dma2 semaphore(%dma_wait3A_549 : memref<!tpu.dma_semaphore, #tpu.memory_space<semaphore_mem>>) src(%dma_wait3A_555 : memref<128x128xf32, #tpu.memory_space<vmem>>) dst(%dma_wait3A_551 : memref<128x128xf32, #tpu.memory_space<hbm>>)
        %dma_wait3A_556 = arith.constant 3 : i32
        %dma_wait3A_557 = arith.constant 3 : i32
        %dma_wait3A_558 = arith.constant 0 : i32
        %dma_wait3A_559 = arith.constant 0 : i32
        %dma_wait3A_560 = tpu.memref_slice %arg6[%dma_wait3A_556, %dma_wait3A_558, %dma_wait3A_559] : memref<4x128x128xf32, #tpu.memory_space<vmem>> -> memref<1x128x128xf32, #tpu.memory_space<vmem>>
        %dma_wait3A_561 = tpu.memref_squeeze %dma_wait3A_560 : memref<1x128x128xf32, #tpu.memory_space<vmem>> -> memref<128x128xf32, #tpu.memory_space<vmem>>
        %dma_wait3A_562 = arith.constant 0 : i32
        %dma_wait3A_563 = tpu.memref_slice %arg4[%mul3A_2, %dma_wait3A_562] : memref<819200x128xf32, #tpu.memory_space<hbm>> -> memref<128x128xf32, #tpu.memory_space<hbm>>
        %dma_wait3A_564 = tpu.memref_slice %arg8[%dma_wait3A_557] : memref<4x!tpu.dma_semaphore, #tpu.memory_space<semaphore_mem>> -> memref<1x!tpu.dma_semaphore, #tpu.memory_space<semaphore_mem>>
        %dma_wait3A_565 = tpu.memref_squeeze %dma_wait3A_564 : memref<1x!tpu.dma_semaphore, #tpu.memory_space<semaphore_mem>> -> memref<!tpu.dma_semaphore, #tpu.memory_space<semaphore_mem>>
        %dma_wait3A_566 = arith.constant 0 : i32
        %dma_wait3A_567 = tpu.memref_slice %arg4[%mul3A_2, %dma_wait3A_566] : memref<819200x128xf32, #tpu.memory_space<hbm>> -> memref<128x128xf32, #tpu.memory_space<hbm>>
        %dma_wait3A_568 = arith.constant 0 : i32
        %dma_wait3A_569 = arith.constant 0 : i32
        %dma_wait3A_570 = tpu.memref_slice %arg6[%dma_wait3A_556, %dma_wait3A_568, %dma_wait3A_569] : memref<4x128x128xf32, #tpu.memory_space<vmem>> -> memref<1x128x128xf32, #tpu.memory_space<vmem>>
        %dma_wait3A_571 = tpu.memref_squeeze %dma_wait3A_570 : memref<1x128x128xf32, #tpu.memory_space<vmem>> -> memref<128x128xf32, #tpu.memory_space<vmem>>
        tpu.wait_dma2 semaphore(%dma_wait3A_565 : memref<!tpu.dma_semaphore, #tpu.memory_space<semaphore_mem>>) src(%dma_wait3A_571 : memref<128x128xf32, #tpu.memory_space<vmem>>) dst(%dma_wait3A_567 : memref<128x128xf32, #tpu.memory_space<hbm>>)
      } else {
      }
      %add3A_372 = arith.constant 2 : i32
      %add3A_373 = arith.addi %add3A_297, %add3A_372 : i32
      %dma_start3A_374 = arith.constant 2 : i32
      %dma_start3A_375 = arith.constant 2 : i32
      %dma_start3A_376 = arith.constant 0 : i32
      %dma_start3A_377 = arith.constant 0 : i32
      %dma_start3A_378 = tpu.memref_slice %arg6[%dma_start3A_374, %dma_start3A_376, %dma_start3A_377] : memref<4x128x128xf32, #tpu.memory_space<vmem>> -> memref<1x128x128xf32, #tpu.memory_space<vmem>>
      %dma_start3A_379 = tpu.memref_squeeze %dma_start3A_378 : memref<1x128x128xf32, #tpu.memory_space<vmem>> -> memref<128x128xf32, #tpu.memory_space<vmem>>
      %dma_start3A_380 = arith.constant 0 : i32
      %dma_start3A_381 = tpu.memref_slice %arg5[%add3A_373, %dma_start3A_380] : memref<200x128xi32, #tpu.memory_space<vmem>> -> memref<1x128xi32, #tpu.memory_space<vmem>>
      %dma_start3A_382 = tpu.memref_squeeze %dma_start3A_381 : memref<1x128xi32, #tpu.memory_space<vmem>> -> memref<128xi32, #tpu.memory_space<vmem>>
      %dma_start3A_383 = arith.constant 0 : i32
      %dma_start3A_384 = arith.constant 0 : i32
      %dma_start3A_385 = tpu.memref_slice %arg2[%dma_start3A_383, %dma_start3A_384] : memref<1000000x128xf32, #tpu.memory_space<hbm>> -> memref<1000000x128xf32, #tpu.memory_space<hbm>>
      %dma_start3A_386 = tpu.memref_slice %arg7[%dma_start3A_375] : memref<4x!tpu.dma_semaphore, #tpu.memory_space<semaphore_mem>> -> memref<1x!tpu.dma_semaphore, #tpu.memory_space<semaphore_mem>>
      %dma_start3A_387 = tpu.memref_squeeze %dma_start3A_386 : memref<1x!tpu.dma_semaphore, #tpu.memory_space<semaphore_mem>> -> memref<!tpu.dma_semaphore, #tpu.memory_space<semaphore_mem>>
      tpu.enqueue_indirect_dma source(%dma_start3A_385 : memref<1000000x128xf32, #tpu.memory_space<hbm>>) target(%dma_start3A_379 : memref<128x128xf32, #tpu.memory_space<vmem>>) offsets(%dma_start3A_382 : memref<128xi32, #tpu.memory_space<vmem>>) semaphore(%dma_start3A_387 : memref<!tpu.dma_semaphore, #tpu.memory_space<semaphore_mem>>)
      %add3A_388 = arith.constant 3 : i32
      %add3A_389 = arith.addi %add3A_297, %add3A_388 : i32
      %dma_start3A_390 = arith.constant 3 : i32
      %dma_start3A_391 = arith.constant 3 : i32
      %dma_start3A_392 = arith.constant 0 : i32
      %dma_start3A_393 = arith.constant 0 : i32
      %dma_start3A_394 = tpu.memref_slice %arg6[%dma_start3A_390, %dma_start3A_392, %dma_start3A_393] : memref<4x128x128xf32, #tpu.memory_space<vmem>> -> memref<1x128x128xf32, #tpu.memory_space<vmem>>
      %dma_start3A_395 = tpu.memref_squeeze %dma_start3A_394 : memref<1x128x128xf32, #tpu.memory_space<vmem>> -> memref<128x128xf32, #tpu.memory_space<vmem>>
      %dma_start3A_396 = arith.constant 0 : i32
      %dma_start3A_397 = tpu.memref_slice %arg5[%add3A_389, %dma_start3A_396] : memref<200x128xi32, #tpu.memory_space<vmem>> -> memref<1x128xi32, #tpu.memory_space<vmem>>
      %dma_start3A_398 = tpu.memref_squeeze %dma_start3A_397 : memref<1x128xi32, #tpu.memory_space<vmem>> -> memref<128xi32, #tpu.memory_space<vmem>>
      %dma_start3A_399 = arith.constant 0 : i32
      %dma_start3A_400 = arith.constant 0 : i32
      %dma_start3A_401 = tpu.memref_slice %arg2[%dma_start3A_399, %dma_start3A_400] : memref<1000000x128xf32, #tpu.memory_space<hbm>> -> memref<1000000x128xf32, #tpu.memory_space<hbm>>
      %dma_start3A_402 = tpu.memref_slice %arg7[%dma_start3A_391] : memref<4x!tpu.dma_semaphore, #tpu.memory_space<semaphore_mem>> -> memref<1x!tpu.dma_semaphore, #tpu.memory_space<semaphore_mem>>
      %dma_start3A_403 = tpu.memref_squeeze %dma_start3A_402 : memref<1x!tpu.dma_semaphore, #tpu.memory_space<semaphore_mem>> -> memref<!tpu.dma_semaphore, #tpu.memory_space<semaphore_mem>>
      tpu.enqueue_indirect_dma source(%dma_start3A_401 : memref<1000000x128xf32, #tpu.memory_space<hbm>>) target(%dma_start3A_395 : memref<128x128xf32, #tpu.memory_space<vmem>>) offsets(%dma_start3A_398 : memref<128xi32, #tpu.memory_space<vmem>>) semaphore(%dma_start3A_403 : memref<!tpu.dma_semaphore, #tpu.memory_space<semaphore_mem>>)
      %dma_wait3A_404 = arith.constant 0 : i32
      %dma_wait3A_405 = arith.constant 2 : i32
      %dma_wait3A_406 = arith.constant 2 : i32
      %dma_wait3A_407 = arith.constant 0 : i32
      %dma_wait3A_408 = arith.constant 0 : i32
      %dma_wait3A_409 = tpu.memref_slice %arg6[%dma_wait3A_405, %dma_wait3A_407, %dma_wait3A_408] : memref<4x128x128xf32, #tpu.memory_space<vmem>> -> memref<1x128x128xf32, #tpu.memory_space<vmem>>
      %dma_wait3A_410 = tpu.memref_squeeze %dma_wait3A_409 : memref<1x128x128xf32, #tpu.memory_space<vmem>> -> memref<128x128xf32, #tpu.memory_space<vmem>>
      %dma_wait3A_411 = arith.constant 0 : i32
      %dma_wait3A_412 = tpu.memref_slice %arg5[%dma_wait3A_404, %dma_wait3A_411] : memref<200x128xi32, #tpu.memory_space<vmem>> -> memref<1x128xi32, #tpu.memory_space<vmem>>
      %dma_wait3A_413 = tpu.memref_squeeze %dma_wait3A_412 : memref<1x128xi32, #tpu.memory_space<vmem>> -> memref<128xi32, #tpu.memory_space<vmem>>
      %dma_wait3A_414 = arith.constant 0 : i32
      %dma_wait3A_415 = arith.constant 0 : i32
      %dma_wait3A_416 = tpu.memref_slice %arg2[%dma_wait3A_414, %dma_wait3A_415] : memref<1000000x128xf32, #tpu.memory_space<hbm>> -> memref<1000000x128xf32, #tpu.memory_space<hbm>>
      %dma_wait3A_417 = tpu.memref_slice %arg7[%dma_wait3A_406] : memref<4x!tpu.dma_semaphore, #tpu.memory_space<semaphore_mem>> -> memref<1x!tpu.dma_semaphore, #tpu.memory_space<semaphore_mem>>
      %dma_wait3A_418 = tpu.memref_squeeze %dma_wait3A_417 : memref<1x!tpu.dma_semaphore, #tpu.memory_space<semaphore_mem>> -> memref<!tpu.dma_semaphore, #tpu.memory_space<semaphore_mem>>
      tpu.wait_indirect_dma semaphore(%dma_wait3A_418 : memref<!tpu.dma_semaphore, #tpu.memory_space<semaphore_mem>>) src(%dma_wait3A_416 : memref<1000000x128xf32, #tpu.memory_space<hbm>>) dst(%dma_wait3A_410 : memref<128x128xf32, #tpu.memory_space<vmem>>)
      %add3A_419 = arith.constant 2 : i32
      %add3A_420 = arith.addi %add3A_297, %add3A_419 : i32
      %mul3A_421 = arith.constant 128 : i32
      %mul3A_422 = arith.muli %add3A_420, %mul3A_421 : i32
      %add3A_423 = arith.addi %mul3A_2, %mul3A_422 : i32
      %dma_start3A_424 = arith.constant 2 : i32
      %dma_start3A_425 = arith.constant 2 : i32
      %dma_start3A_426 = arith.constant 0 : i32
      %dma_start3A_427 = arith.constant 0 : i32
      %dma_start3A_428 = tpu.memref_slice %arg6[%dma_start3A_424, %dma_start3A_426, %dma_start3A_427] : memref<4x128x128xf32, #tpu.memory_space<vmem>> -> memref<1x128x128xf32, #tpu.memory_space<vmem>>
      %dma_start3A_429 = tpu.memref_squeeze %dma_start3A_428 : memref<1x128x128xf32, #tpu.memory_space<vmem>> -> memref<128x128xf32, #tpu.memory_space<vmem>>
      %dma_start3A_430 = arith.constant 0 : i32
      %dma_start3A_431 = tpu.memref_slice %arg4[%add3A_423, %dma_start3A_430] : memref<819200x128xf32, #tpu.memory_space<hbm>> -> memref<128x128xf32, #tpu.memory_space<hbm>>
      %dma_start3A_432 = tpu.memref_slice %arg8[%dma_start3A_425] : memref<4x!tpu.dma_semaphore, #tpu.memory_space<semaphore_mem>> -> memref<1x!tpu.dma_semaphore, #tpu.memory_space<semaphore_mem>>
      %dma_start3A_433 = tpu.memref_squeeze %dma_start3A_432 : memref<1x!tpu.dma_semaphore, #tpu.memory_space<semaphore_mem>> -> memref<!tpu.dma_semaphore, #tpu.memory_space<semaphore_mem>>
      %dma_start3A_434 = arith.constant 0 : i32
      %dma_start3A_435 = tpu.memref_slice %arg4[%add3A_423, %dma_start3A_434] : memref<819200x128xf32, #tpu.memory_space<hbm>> -> memref<128x128xf32, #tpu.memory_space<hbm>>
      %dma_start3A_436 = arith.constant 0 : i32
      %dma_start3A_437 = arith.constant 0 : i32
      %dma_start3A_438 = tpu.memref_slice %arg6[%dma_start3A_424, %dma_start3A_436, %dma_start3A_437] : memref<4x128x128xf32, #tpu.memory_space<vmem>> -> memref<1x128x128xf32, #tpu.memory_space<vmem>>
      %dma_start3A_439 = tpu.memref_squeeze %dma_start3A_438 : memref<1x128x128xf32, #tpu.memory_space<vmem>> -> memref<128x128xf32, #tpu.memory_space<vmem>>
      tpu.enqueue_dma source(%dma_start3A_439 : memref<128x128xf32, #tpu.memory_space<vmem>>) target(%dma_start3A_435 : memref<128x128xf32, #tpu.memory_space<hbm>>) target_semaphore(%dma_start3A_433 : memref<!tpu.dma_semaphore, #tpu.memory_space<semaphore_mem>>)
      %dma_wait3A_440 = arith.constant 0 : i32
      %dma_wait3A_441 = arith.constant 3 : i32
      %dma_wait3A_442 = arith.constant 3 : i32
      %dma_wait3A_443 = arith.constant 0 : i32
      %dma_wait3A_444 = arith.constant 0 : i32
      %dma_wait3A_445 = tpu.memref_slice %arg6[%dma_wait3A_441, %dma_wait3A_443, %dma_wait3A_444] : memref<4x128x128xf32, #tpu.memory_space<vmem>> -> memref<1x128x128xf32, #tpu.memory_space<vmem>>
      %dma_wait3A_446 = tpu.memref_squeeze %dma_wait3A_445 : memref<1x128x128xf32, #tpu.memory_space<vmem>> -> memref<128x128xf32, #tpu.memory_space<vmem>>
      %dma_wait3A_447 = arith.constant 0 : i32
      %dma_wait3A_448 = tpu.memref_slice %arg5[%dma_wait3A_440, %dma_wait3A_447] : memref<200x128xi32, #tpu.memory_space<vmem>> -> memref<1x128xi32, #tpu.memory_space<vmem>>
      %dma_wait3A_449 = tpu.memref_squeeze %dma_wait3A_448 : memref<1x128xi32, #tpu.memory_space<vmem>> -> memref<128xi32, #tpu.memory_space<vmem>>
      %dma_wait3A_450 = arith.constant 0 : i32
      %dma_wait3A_451 = arith.constant 0 : i32
      %dma_wait3A_452 = tpu.memref_slice %arg2[%dma_wait3A_450, %dma_wait3A_451] : memref<1000000x128xf32, #tpu.memory_space<hbm>> -> memref<1000000x128xf32, #tpu.memory_space<hbm>>
      %dma_wait3A_453 = tpu.memref_slice %arg7[%dma_wait3A_442] : memref<4x!tpu.dma_semaphore, #tpu.memory_space<semaphore_mem>> -> memref<1x!tpu.dma_semaphore, #tpu.memory_space<semaphore_mem>>
      %dma_wait3A_454 = tpu.memref_squeeze %dma_wait3A_453 : memref<1x!tpu.dma_semaphore, #tpu.memory_space<semaphore_mem>> -> memref<!tpu.dma_semaphore, #tpu.memory_space<semaphore_mem>>
      tpu.wait_indirect_dma semaphore(%dma_wait3A_454 : memref<!tpu.dma_semaphore, #tpu.memory_space<semaphore_mem>>) src(%dma_wait3A_452 : memref<1000000x128xf32, #tpu.memory_space<hbm>>) dst(%dma_wait3A_446 : memref<128x128xf32, #tpu.memory_space<vmem>>)
      %add3A_455 = arith.constant 3 : i32
      %add3A_456 = arith.addi %add3A_297, %add3A_455 : i32
      %mul3A_457 = arith.constant 128 : i32
      %mul3A_458 = arith.muli %add3A_456, %mul3A_457 : i32
      %add3A_459 = arith.addi %mul3A_2, %mul3A_458 : i32
      %dma_start3A_460 = arith.constant 3 : i32
      %dma_start3A_461 = arith.constant 3 : i32
      %dma_start3A_462 = arith.constant 0 : i32
      %dma_start3A_463 = arith.constant 0 : i32
      %dma_start3A_464 = tpu.memref_slice %arg6[%dma_start3A_460, %dma_start3A_462, %dma_start3A_463] : memref<4x128x128xf32, #tpu.memory_space<vmem>> -> memref<1x128x128xf32, #tpu.memory_space<vmem>>
      %dma_start3A_465 = tpu.memref_squeeze %dma_start3A_464 : memref<1x128x128xf32, #tpu.memory_space<vmem>> -> memref<128x128xf32, #tpu.memory_space<vmem>>
      %dma_start3A_466 = arith.constant 0 : i32
      %dma_start3A_467 = tpu.memref_slice %arg4[%add3A_459, %dma_start3A_466] : memref<819200x128xf32, #tpu.memory_space<hbm>> -> memref<128x128xf32, #tpu.memory_space<hbm>>
      %dma_start3A_468 = tpu.memref_slice %arg8[%dma_start3A_461] : memref<4x!tpu.dma_semaphore, #tpu.memory_space<semaphore_mem>> -> memref<1x!tpu.dma_semaphore, #tpu.memory_space<semaphore_mem>>
      %dma_start3A_469 = tpu.memref_squeeze %dma_start3A_468 : memref<1x!tpu.dma_semaphore, #tpu.memory_space<semaphore_mem>> -> memref<!tpu.dma_semaphore, #tpu.memory_space<semaphore_mem>>
      %dma_start3A_470 = arith.constant 0 : i32
      %dma_start3A_471 = tpu.memref_slice %arg4[%add3A_459, %dma_start3A_470] : memref<819200x128xf32, #tpu.memory_space<hbm>> -> memref<128x128xf32, #tpu.memory_space<hbm>>
      %dma_start3A_472 = arith.constant 0 : i32
      %dma_start3A_473 = arith.constant 0 : i32
      %dma_start3A_474 = tpu.memref_slice %arg6[%dma_start3A_460, %dma_start3A_472, %dma_start3A_473] : memref<4x128x128xf32, #tpu.memory_space<vmem>> -> memref<1x128x128xf32, #tpu.memory_space<vmem>>
      %dma_start3A_475 = tpu.memref_squeeze %dma_start3A_474 : memref<1x128x128xf32, #tpu.memory_space<vmem>> -> memref<128x128xf32, #tpu.memory_space<vmem>>
      tpu.enqueue_dma source(%dma_start3A_475 : memref<128x128xf32, #tpu.memory_space<vmem>>) target(%dma_start3A_471 : memref<128x128xf32, #tpu.memory_space<hbm>>) target_semaphore(%dma_start3A_469 : memref<!tpu.dma_semaphore, #tpu.memory_space<semaphore_mem>>)
      %dma_wait3A_476 = arith.constant 0 : i32
      %dma_wait3A_477 = arith.constant 0 : i32
      %dma_wait3A_478 = arith.constant 0 : i32
      %dma_wait3A_479 = arith.constant 0 : i32
      %dma_wait3A_480 = tpu.memref_slice %arg6[%dma_wait3A_476, %dma_wait3A_478, %dma_wait3A_479] : memref<4x128x128xf32, #tpu.memory_space<vmem>> -> memref<1x128x128xf32, #tpu.memory_space<vmem>>
      %dma_wait3A_481 = tpu.memref_squeeze %dma_wait3A_480 : memref<1x128x128xf32, #tpu.memory_space<vmem>> -> memref<128x128xf32, #tpu.memory_space<vmem>>
      %dma_wait3A_482 = arith.constant 0 : i32
      %dma_wait3A_483 = tpu.memref_slice %arg4[%mul3A_2, %dma_wait3A_482] : memref<819200x128xf32, #tpu.memory_space<hbm>> -> memref<128x128xf32, #tpu.memory_space<hbm>>
      %dma_wait3A_484 = tpu.memref_slice %arg8[%dma_wait3A_477] : memref<4x!tpu.dma_semaphore, #tpu.memory_space<semaphore_mem>> -> memref<1x!tpu.dma_semaphore, #tpu.memory_space<semaphore_mem>>
      %dma_wait3A_485 = tpu.memref_squeeze %dma_wait3A_484 : memref<1x!tpu.dma_semaphore, #tpu.memory_space<semaphore_mem>> -> memref<!tpu.dma_semaphore, #tpu.memory_space<semaphore_mem>>
      %dma_wait3A_486 = arith.constant 0 : i32
      %dma_wait3A_487 = tpu.memref_slice %arg4[%mul3A_2, %dma_wait3A_486] : memref<819200x128xf32, #tpu.memory_space<hbm>> -> memref<128x128xf32, #tpu.memory_space<hbm>>
      %dma_wait3A_488 = arith.constant 0 : i32
      %dma_wait3A_489 = arith.constant 0 : i32
      %dma_wait3A_490 = tpu.memref_slice %arg6[%dma_wait3A_476, %dma_wait3A_488, %dma_wait3A_489] : memref<4x128x128xf32, #tpu.memory_space<vmem>> -> memref<1x128x128xf32, #tpu.memory_space<vmem>>
      %dma_wait3A_491 = tpu.memref_squeeze %dma_wait3A_490 : memref<1x128x128xf32, #tpu.memory_space<vmem>> -> memref<128x128xf32, #tpu.memory_space<vmem>>
      tpu.wait_dma2 semaphore(%dma_wait3A_485 : memref<!tpu.dma_semaphore, #tpu.memory_space<semaphore_mem>>) src(%dma_wait3A_491 : memref<128x128xf32, #tpu.memory_space<vmem>>) dst(%dma_wait3A_487 : memref<128x128xf32, #tpu.memory_space<hbm>>)
      %dma_wait3A_492 = arith.constant 1 : i32
      %dma_wait3A_493 = arith.constant 1 : i32
      %dma_wait3A_494 = arith.constant 0 : i32
      %dma_wait3A_495 = arith.constant 0 : i32
      %dma_wait3A_496 = tpu.memref_slice %arg6[%dma_wait3A_492, %dma_wait3A_494, %dma_wait3A_495] : memref<4x128x128xf32, #tpu.memory_space<vmem>> -> memref<1x128x128xf32, #tpu.memory_space<vmem>>
      %dma_wait3A_497 = tpu.memref_squeeze %dma_wait3A_496 : memref<1x128x128xf32, #tpu.memory_space<vmem>> -> memref<128x128xf32, #tpu.memory_space<vmem>>
      %dma_wait3A_498 = arith.constant 0 : i32
      %dma_wait3A_499 = tpu.memref_slice %arg4[%mul3A_2, %dma_wait3A_498] : memref<819200x128xf32, #tpu.memory_space<hbm>> -> memref<128x128xf32, #tpu.memory_space<hbm>>
      %dma_wait3A_500 = tpu.memref_slice %arg8[%dma_wait3A_493] : memref<4x!tpu.dma_semaphore, #tpu.memory_space<semaphore_mem>> -> memref<1x!tpu.dma_semaphore, #tpu.memory_space<semaphore_mem>>
      %dma_wait3A_501 = tpu.memref_squeeze %dma_wait3A_500 : memref<1x!tpu.dma_semaphore, #tpu.memory_space<semaphore_mem>> -> memref<!tpu.dma_semaphore, #tpu.memory_space<semaphore_mem>>
      %dma_wait3A_502 = arith.constant 0 : i32
      %dma_wait3A_503 = tpu.memref_slice %arg4[%mul3A_2, %dma_wait3A_502] : memref<819200x128xf32, #tpu.memory_space<hbm>> -> memref<128x128xf32, #tpu.memory_space<hbm>>
      %dma_wait3A_504 = arith.constant 0 : i32
      %dma_wait3A_505 = arith.constant 0 : i32
      %dma_wait3A_506 = tpu.memref_slice %arg6[%dma_wait3A_492, %dma_wait3A_504, %dma_wait3A_505] : memref<4x128x128xf32, #tpu.memory_space<vmem>> -> memref<1x128x128xf32, #tpu.memory_space<vmem>>
      %dma_wait3A_507 = tpu.memref_squeeze %dma_wait3A_506 : memref<1x128x128xf32, #tpu.memory_space<vmem>> -> memref<128x128xf32, #tpu.memory_space<vmem>>
      tpu.wait_dma2 semaphore(%dma_wait3A_501 : memref<!tpu.dma_semaphore, #tpu.memory_space<semaphore_mem>>) src(%dma_wait3A_507 : memref<128x128xf32, #tpu.memory_space<vmem>>) dst(%dma_wait3A_503 : memref<128x128xf32, #tpu.memory_space<hbm>>)
      %add3A_508 = arith.constant 4 : i32
      %add3A_509 = arith.addi %add3A_297, %add3A_508 : i32
      %dma_start3A_510 = arith.constant 0 : i32
      %dma_start3A_511 = arith.constant 0 : i32
      %dma_start3A_512 = arith.constant 0 : i32
      %dma_start3A_513 = arith.constant 0 : i32
      %dma_start3A_514 = tpu.memref_slice %arg6[%dma_start3A_510, %dma_start3A_512, %dma_start3A_513] : memref<4x128x128xf32, #tpu.memory_space<vmem>> -> memref<1x128x128xf32, #tpu.memory_space<vmem>>
      %dma_start3A_515 = tpu.memref_squeeze %dma_start3A_514 : memref<1x128x128xf32, #tpu.memory_space<vmem>> -> memref<128x128xf32, #tpu.memory_space<vmem>>
      %dma_start3A_516 = arith.constant 0 : i32
      %dma_start3A_517 = tpu.memref_slice %arg5[%add3A_509, %dma_start3A_516] : memref<200x128xi32, #tpu.memory_space<vmem>> -> memref<1x128xi32, #tpu.memory_space<vmem>>
      %dma_start3A_518 = tpu.memref_squeeze %dma_start3A_517 : memref<1x128xi32, #tpu.memory_space<vmem>> -> memref<128xi32, #tpu.memory_space<vmem>>
      %dma_start3A_519 = arith.constant 0 : i32
      %dma_start3A_520 = arith.constant 0 : i32
      %dma_start3A_521 = tpu.memref_slice %arg2[%dma_start3A_519, %dma_start3A_520] : memref<1000000x128xf32, #tpu.memory_space<hbm>> -> memref<1000000x128xf32, #tpu.memory_space<hbm>>
      %dma_start3A_522 = tpu.memref_slice %arg7[%dma_start3A_511] : memref<4x!tpu.dma_semaphore, #tpu.memory_space<semaphore_mem>> -> memref<1x!tpu.dma_semaphore, #tpu.memory_space<semaphore_mem>>
      %dma_start3A_523 = tpu.memref_squeeze %dma_start3A_522 : memref<1x!tpu.dma_semaphore, #tpu.memory_space<semaphore_mem>> -> memref<!tpu.dma_semaphore, #tpu.memory_space<semaphore_mem>>
      tpu.enqueue_indirect_dma source(%dma_start3A_521 : memref<1000000x128xf32, #tpu.memory_space<hbm>>) target(%dma_start3A_515 : memref<128x128xf32, #tpu.memory_space<vmem>>) offsets(%dma_start3A_518 : memref<128xi32, #tpu.memory_space<vmem>>) semaphore(%dma_start3A_523 : memref<!tpu.dma_semaphore, #tpu.memory_space<semaphore_mem>>)
      %add3A_524 = arith.constant 5 : i32
      %add3A_525 = arith.addi %add3A_297, %add3A_524 : i32
      %dma_start3A_526 = arith.constant 1 : i32
      %dma_start3A_527 = arith.constant 1 : i32
      %dma_start3A_528 = arith.constant 0 : i32
      %dma_start3A_529 = arith.constant 0 : i32
      %dma_start3A_530 = tpu.memref_slice %arg6[%dma_start3A_526, %dma_start3A_528, %dma_start3A_529] : memref<4x128x128xf32, #tpu.memory_space<vmem>> -> memref<1x128x128xf32, #tpu.memory_space<vmem>>
      %dma_start3A_531 = tpu.memref_squeeze %dma_start3A_530 : memref<1x128x128xf32, #tpu.memory_space<vmem>> -> memref<128x128xf32, #tpu.memory_space<vmem>>
      %dma_start3A_532 = arith.constant 0 : i32
      %dma_start3A_533 = tpu.memref_slice %arg5[%add3A_525, %dma_start3A_532] : memref<200x128xi32, #tpu.memory_space<vmem>> -> memref<1x128xi32, #tpu.memory_space<vmem>>
      %dma_start3A_534 = tpu.memref_squeeze %dma_start3A_533 : memref<1x128xi32, #tpu.memory_space<vmem>> -> memref<128xi32, #tpu.memory_space<vmem>>
      %dma_start3A_535 = arith.constant 0 : i32
      %dma_start3A_536 = arith.constant 0 : i32
      %dma_start3A_537 = tpu.memref_slice %arg2[%dma_start3A_535, %dma_start3A_536] : memref<1000000x128xf32, #tpu.memory_space<hbm>> -> memref<1000000x128xf32, #tpu.memory_space<hbm>>
      %dma_start3A_538 = tpu.memref_slice %arg7[%dma_start3A_527] : memref<4x!tpu.dma_semaphore, #tpu.memory_space<semaphore_mem>> -> memref<1x!tpu.dma_semaphore, #tpu.memory_space<semaphore_mem>>
      %dma_start3A_539 = tpu.memref_squeeze %dma_start3A_538 : memref<1x!tpu.dma_semaphore, #tpu.memory_space<semaphore_mem>> -> memref<!tpu.dma_semaphore, #tpu.memory_space<semaphore_mem>>
      tpu.enqueue_indirect_dma source(%dma_start3A_537 : memref<1000000x128xf32, #tpu.memory_space<hbm>>) target(%dma_start3A_531 : memref<128x128xf32, #tpu.memory_space<vmem>>) offsets(%dma_start3A_534 : memref<128xi32, #tpu.memory_space<vmem>>) semaphore(%dma_start3A_539 : memref<!tpu.dma_semaphore, #tpu.memory_space<semaphore_mem>>)
    }
    %scan3A_35 = arith.constant 49 : i32
    %dma_wait3A = arith.constant 0 : i32
    %dma_wait3A_36 = arith.constant 0 : i32
    %dma_wait3A_37 = arith.constant 0 : i32
    %dma_wait3A_38 = arith.constant 0 : i32
    %dma_wait3A_39 = arith.constant 0 : i32
    %dma_wait3A_40 = tpu.memref_slice %arg6[%dma_wait3A_36, %dma_wait3A_38, %dma_wait3A_39] : memref<4x128x128xf32, #tpu.memory_space<vmem>> -> memref<1x128x128xf32, #tpu.memory_space<vmem>>
    %dma_wait3A_41 = tpu.memref_squeeze %dma_wait3A_40 : memref<1x128x128xf32, #tpu.memory_space<vmem>> -> memref<128x128xf32, #tpu.memory_space<vmem>>
    %dma_wait3A_42 = arith.constant 0 : i32
    %dma_wait3A_43 = tpu.memref_slice %arg5[%dma_wait3A, %dma_wait3A_42] : memref<200x128xi32, #tpu.memory_space<vmem>> -> memref<1x128xi32, #tpu.memory_space<vmem>>
    %dma_wait3A_44 = tpu.memref_squeeze %dma_wait3A_43 : memref<1x128xi32, #tpu.memory_space<vmem>> -> memref<128xi32, #tpu.memory_space<vmem>>
    %dma_wait3A_45 = arith.constant 0 : i32
    %dma_wait3A_46 = arith.constant 0 : i32
    %dma_wait3A_47 = tpu.memref_slice %arg2[%dma_wait3A_45, %dma_wait3A_46] : memref<1000000x128xf32, #tpu.memory_space<hbm>> -> memref<1000000x128xf32, #tpu.memory_space<hbm>>
    %dma_wait3A_48 = tpu.memref_slice %arg7[%dma_wait3A_37] : memref<4x!tpu.dma_semaphore, #tpu.memory_space<semaphore_mem>> -> memref<1x!tpu.dma_semaphore, #tpu.memory_space<semaphore_mem>>
    %dma_wait3A_49 = tpu.memref_squeeze %dma_wait3A_48 : memref<1x!tpu.dma_semaphore, #tpu.memory_space<semaphore_mem>> -> memref<!tpu.dma_semaphore, #tpu.memory_space<semaphore_mem>>
    tpu.wait_indirect_dma semaphore(%dma_wait3A_49 : memref<!tpu.dma_semaphore, #tpu.memory_space<semaphore_mem>>) src(%dma_wait3A_47 : memref<1000000x128xf32, #tpu.memory_space<hbm>>) dst(%dma_wait3A_41 : memref<128x128xf32, #tpu.memory_space<vmem>>)
    %add3A_50 = arith.constant 25088 : i32
    %add3A_51 = arith.addi %mul3A_2, %add3A_50 : i32
    %dma_start3A_52 = arith.constant 0 : i32
    %dma_start3A_53 = arith.constant 0 : i32
    %dma_start3A_54 = arith.constant 0 : i32
    %dma_start3A_55 = arith.constant 0 : i32
    %dma_start3A_56 = tpu.memref_slice %arg6[%dma_start3A_52, %dma_start3A_54, %dma_start3A_55] : memref<4x128x128xf32, #tpu.memory_space<vmem>> -> memref<1x128x128xf32, #tpu.memory_space<vmem>>
    %dma_start3A_57 = tpu.memref_squeeze %dma_start3A_56 : memref<1x128x128xf32, #tpu.memory_space<vmem>> -> memref<128x128xf32, #tpu.memory_space<vmem>>
    %dma_start3A_58 = arith.constant 0 : i32
    %dma_start3A_59 = tpu.memref_slice %arg4[%add3A_51, %dma_start3A_58] : memref<819200x128xf32, #tpu.memory_space<hbm>> -> memref<128x128xf32, #tpu.memory_space<hbm>>
    %dma_start3A_60 = tpu.memref_slice %arg8[%dma_start3A_53] : memref<4x!tpu.dma_semaphore, #tpu.memory_space<semaphore_mem>> -> memref<1x!tpu.dma_semaphore, #tpu.memory_space<semaphore_mem>>
    %dma_start3A_61 = tpu.memref_squeeze %dma_start3A_60 : memref<1x!tpu.dma_semaphore, #tpu.memory_space<semaphore_mem>> -> memref<!tpu.dma_semaphore, #tpu.memory_space<semaphore_mem>>
    %dma_start3A_62 = arith.constant 0 : i32
    %dma_start3A_63 = tpu.memref_slice %arg4[%add3A_51, %dma_start3A_62] : memref<819200x128xf32, #tpu.memory_space<hbm>> -> memref<128x128xf32, #tpu.memory_space<hbm>>
    %dma_start3A_64 = arith.constant 0 : i32
    %dma_start3A_65 = arith.constant 0 : i32
    %dma_start3A_66 = tpu.memref_slice %arg6[%dma_start3A_52, %dma_start3A_64, %dma_start3A_65] : memref<4x128x128xf32, #tpu.memory_space<vmem>> -> memref<1x128x128xf32, #tpu.memory_space<vmem>>
    %dma_start3A_67 = tpu.memref_squeeze %dma_start3A_66 : memref<1x128x128xf32, #tpu.memory_space<vmem>> -> memref<128x128xf32, #tpu.memory_space<vmem>>
    tpu.enqueue_dma source(%dma_start3A_67 : memref<128x128xf32, #tpu.memory_space<vmem>>) target(%dma_start3A_63 : memref<128x128xf32, #tpu.memory_space<hbm>>) target_semaphore(%dma_start3A_61 : memref<!tpu.dma_semaphore, #tpu.memory_space<semaphore_mem>>)
    %dma_wait3A_68 = arith.constant 0 : i32
    %dma_wait3A_69 = arith.constant 1 : i32
    %dma_wait3A_70 = arith.constant 1 : i32
    %dma_wait3A_71 = arith.constant 0 : i32
    %dma_wait3A_72 = arith.constant 0 : i32
    %dma_wait3A_73 = tpu.memref_slice %arg6[%dma_wait3A_69, %dma_wait3A_71, %dma_wait3A_72] : memref<4x128x128xf32, #tpu.memory_space<vmem>> -> memref<1x128x128xf32, #tpu.memory_space<vmem>>
    %dma_wait3A_74 = tpu.memref_squeeze %dma_wait3A_73 : memref<1x128x128xf32, #tpu.memory_space<vmem>> -> memref<128x128xf32, #tpu.memory_space<vmem>>
    %dma_wait3A_75 = arith.constant 0 : i32
    %dma_wait3A_76 = tpu.memref_slice %arg5[%dma_wait3A_68, %dma_wait3A_75] : memref<200x128xi32, #tpu.memory_space<vmem>> -> memref<1x128xi32, #tpu.memory_space<vmem>>
    %dma_wait3A_77 = tpu.memref_squeeze %dma_wait3A_76 : memref<1x128xi32, #tpu.memory_space<vmem>> -> memref<128xi32, #tpu.memory_space<vmem>>
    %dma_wait3A_78 = arith.constant 0 : i32
    %dma_wait3A_79 = arith.constant 0 : i32
    %dma_wait3A_80 = tpu.memref_slice %arg2[%dma_wait3A_78, %dma_wait3A_79] : memref<1000000x128xf32, #tpu.memory_space<hbm>> -> memref<1000000x128xf32, #tpu.memory_space<hbm>>
    %dma_wait3A_81 = tpu.memref_slice %arg7[%dma_wait3A_70] : memref<4x!tpu.dma_semaphore, #tpu.memory_space<semaphore_mem>> -> memref<1x!tpu.dma_semaphore, #tpu.memory_space<semaphore_mem>>
    %dma_wait3A_82 = tpu.memref_squeeze %dma_wait3A_81 : memref<1x!tpu.dma_semaphore, #tpu.memory_space<semaphore_mem>> -> memref<!tpu.dma_semaphore, #tpu.memory_space<semaphore_mem>>
    tpu.wait_indirect_dma semaphore(%dma_wait3A_82 : memref<!tpu.dma_semaphore, #tpu.memory_space<semaphore_mem>>) src(%dma_wait3A_80 : memref<1000000x128xf32, #tpu.memory_space<hbm>>) dst(%dma_wait3A_74 : memref<128x128xf32, #tpu.memory_space<vmem>>)
    %add3A_83 = arith.constant 25216 : i32
    %add3A_84 = arith.addi %mul3A_2, %add3A_83 : i32
    %dma_start3A_85 = arith.constant 1 : i32
    %dma_start3A_86 = arith.constant 1 : i32
    %dma_start3A_87 = arith.constant 0 : i32
    %dma_start3A_88 = arith.constant 0 : i32
    %dma_start3A_89 = tpu.memref_slice %arg6[%dma_start3A_85, %dma_start3A_87, %dma_start3A_88] : memref<4x128x128xf32, #tpu.memory_space<vmem>> -> memref<1x128x128xf32, #tpu.memory_space<vmem>>
    %dma_start3A_90 = tpu.memref_squeeze %dma_start3A_89 : memref<1x128x128xf32, #tpu.memory_space<vmem>> -> memref<128x128xf32, #tpu.memory_space<vmem>>
    %dma_start3A_91 = arith.constant 0 : i32
    %dma_start3A_92 = tpu.memref_slice %arg4[%add3A_84, %dma_start3A_91] : memref<819200x128xf32, #tpu.memory_space<hbm>> -> memref<128x128xf32, #tpu.memory_space<hbm>>
    %dma_start3A_93 = tpu.memref_slice %arg8[%dma_start3A_86] : memref<4x!tpu.dma_semaphore, #tpu.memory_space<semaphore_mem>> -> memref<1x!tpu.dma_semaphore, #tpu.memory_space<semaphore_mem>>
    %dma_start3A_94 = tpu.memref_squeeze %dma_start3A_93 : memref<1x!tpu.dma_semaphore, #tpu.memory_space<semaphore_mem>> -> memref<!tpu.dma_semaphore, #tpu.memory_space<semaphore_mem>>
    %dma_start3A_95 = arith.constant 0 : i32
    %dma_start3A_96 = tpu.memref_slice %arg4[%add3A_84, %dma_start3A_95] : memref<819200x128xf32, #tpu.memory_space<hbm>> -> memref<128x128xf32, #tpu.memory_space<hbm>>
    %dma_start3A_97 = arith.constant 0 : i32
    %dma_start3A_98 = arith.constant 0 : i32
    %dma_start3A_99 = tpu.memref_slice %arg6[%dma_start3A_85, %dma_start3A_97, %dma_start3A_98] : memref<4x128x128xf32, #tpu.memory_space<vmem>> -> memref<1x128x128xf32, #tpu.memory_space<vmem>>
    %dma_start3A_100 = tpu.memref_squeeze %dma_start3A_99 : memref<1x128x128xf32, #tpu.memory_space<vmem>> -> memref<128x128xf32, #tpu.memory_space<vmem>>
    tpu.enqueue_dma source(%dma_start3A_100 : memref<128x128xf32, #tpu.memory_space<vmem>>) target(%dma_start3A_96 : memref<128x128xf32, #tpu.memory_space<hbm>>) target_semaphore(%dma_start3A_94 : memref<!tpu.dma_semaphore, #tpu.memory_space<semaphore_mem>>)
    %dma_wait3A_101 = arith.constant 2 : i32
    %dma_wait3A_102 = arith.constant 2 : i32
    %dma_wait3A_103 = arith.constant 0 : i32
    %dma_wait3A_104 = arith.constant 0 : i32
    %dma_wait3A_105 = tpu.memref_slice %arg6[%dma_wait3A_101, %dma_wait3A_103, %dma_wait3A_104] : memref<4x128x128xf32, #tpu.memory_space<vmem>> -> memref<1x128x128xf32, #tpu.memory_space<vmem>>
    %dma_wait3A_106 = tpu.memref_squeeze %dma_wait3A_105 : memref<1x128x128xf32, #tpu.memory_space<vmem>> -> memref<128x128xf32, #tpu.memory_space<vmem>>
    %dma_wait3A_107 = arith.constant 0 : i32
    %dma_wait3A_108 = tpu.memref_slice %arg4[%mul3A_2, %dma_wait3A_107] : memref<819200x128xf32, #tpu.memory_space<hbm>> -> memref<128x128xf32, #tpu.memory_space<hbm>>
    %dma_wait3A_109 = tpu.memref_slice %arg8[%dma_wait3A_102] : memref<4x!tpu.dma_semaphore, #tpu.memory_space<semaphore_mem>> -> memref<1x!tpu.dma_semaphore, #tpu.memory_space<semaphore_mem>>
    %dma_wait3A_110 = tpu.memref_squeeze %dma_wait3A_109 : memref<1x!tpu.dma_semaphore, #tpu.memory_space<semaphore_mem>> -> memref<!tpu.dma_semaphore, #tpu.memory_space<semaphore_mem>>
    %dma_wait3A_111 = arith.constant 0 : i32
    %dma_wait3A_112 = tpu.memref_slice %arg4[%mul3A_2, %dma_wait3A_111] : memref<819200x128xf32, #tpu.memory_space<hbm>> -> memref<128x128xf32, #tpu.memory_space<hbm>>
    %dma_wait3A_113 = arith.constant 0 : i32
    %dma_wait3A_114 = arith.constant 0 : i32
    %dma_wait3A_115 = tpu.memref_slice %arg6[%dma_wait3A_101, %dma_wait3A_113, %dma_wait3A_114] : memref<4x128x128xf32, #tpu.memory_space<vmem>> -> memref<1x128x128xf32, #tpu.memory_space<vmem>>
    %dma_wait3A_116 = tpu.memref_squeeze %dma_wait3A_115 : memref<1x128x128xf32, #tpu.memory_space<vmem>> -> memref<128x128xf32, #tpu.memory_space<vmem>>
    tpu.wait_dma2 semaphore(%dma_wait3A_110 : memref<!tpu.dma_semaphore, #tpu.memory_space<semaphore_mem>>) src(%dma_wait3A_116 : memref<128x128xf32, #tpu.memory_space<vmem>>) dst(%dma_wait3A_112 : memref<128x128xf32, #tpu.memory_space<hbm>>)
    %dma_wait3A_117 = arith.constant 3 : i32
    %dma_wait3A_118 = arith.constant 3 : i32
    %dma_wait3A_119 = arith.constant 0 : i32
    %dma_wait3A_120 = arith.constant 0 : i32
    %dma_wait3A_121 = tpu.memref_slice %arg6[%dma_wait3A_117, %dma_wait3A_119, %dma_wait3A_120] : memref<4x128x128xf32, #tpu.memory_space<vmem>> -> memref<1x128x128xf32, #tpu.memory_space<vmem>>
    %dma_wait3A_122 = tpu.memref_squeeze %dma_wait3A_121 : memref<1x128x128xf32, #tpu.memory_space<vmem>> -> memref<128x128xf32, #tpu.memory_space<vmem>>
    %dma_wait3A_123 = arith.constant 0 : i32
    %dma_wait3A_124 = tpu.memref_slice %arg4[%mul3A_2, %dma_wait3A_123] : memref<819200x128xf32, #tpu.memory_space<hbm>> -> memref<128x128xf32, #tpu.memory_space<hbm>>
    %dma_wait3A_125 = tpu.memref_slice %arg8[%dma_wait3A_118] : memref<4x!tpu.dma_semaphore, #tpu.memory_space<semaphore_mem>> -> memref<1x!tpu.dma_semaphore, #tpu.memory_space<semaphore_mem>>
    %dma_wait3A_126 = tpu.memref_squeeze %dma_wait3A_125 : memref<1x!tpu.dma_semaphore, #tpu.memory_space<semaphore_mem>> -> memref<!tpu.dma_semaphore, #tpu.memory_space<semaphore_mem>>
    %dma_wait3A_127 = arith.constant 0 : i32
    %dma_wait3A_128 = tpu.memref_slice %arg4[%mul3A_2, %dma_wait3A_127] : memref<819200x128xf32, #tpu.memory_space<hbm>> -> memref<128x128xf32, #tpu.memory_space<hbm>>
    %dma_wait3A_129 = arith.constant 0 : i32
    %dma_wait3A_130 = arith.constant 0 : i32
    %dma_wait3A_131 = tpu.memref_slice %arg6[%dma_wait3A_117, %dma_wait3A_129, %dma_wait3A_130] : memref<4x128x128xf32, #tpu.memory_space<vmem>> -> memref<1x128x128xf32, #tpu.memory_space<vmem>>
    %dma_wait3A_132 = tpu.memref_squeeze %dma_wait3A_131 : memref<1x128x128xf32, #tpu.memory_space<vmem>> -> memref<128x128xf32, #tpu.memory_space<vmem>>
    tpu.wait_dma2 semaphore(%dma_wait3A_126 : memref<!tpu.dma_semaphore, #tpu.memory_space<semaphore_mem>>) src(%dma_wait3A_132 : memref<128x128xf32, #tpu.memory_space<vmem>>) dst(%dma_wait3A_128 : memref<128x128xf32, #tpu.memory_space<hbm>>)
    %dma_start3A_133 = arith.constant 198 : i32
    %dma_start3A_134 = arith.constant 2 : i32
    %dma_start3A_135 = arith.constant 2 : i32
    %dma_start3A_136 = arith.constant 0 : i32
    %dma_start3A_137 = arith.constant 0 : i32
    %dma_start3A_138 = tpu.memref_slice %arg6[%dma_start3A_134, %dma_start3A_136, %dma_start3A_137] : memref<4x128x128xf32, #tpu.memory_space<vmem>> -> memref<1x128x128xf32, #tpu.memory_space<vmem>>
    %dma_start3A_139 = tpu.memref_squeeze %dma_start3A_138 : memref<1x128x128xf32, #tpu.memory_space<vmem>> -> memref<128x128xf32, #tpu.memory_space<vmem>>
    %dma_start3A_140 = arith.constant 0 : i32
    %dma_start3A_141 = tpu.memref_slice %arg5[%dma_start3A_133, %dma_start3A_140] : memref<200x128xi32, #tpu.memory_space<vmem>> -> memref<1x128xi32, #tpu.memory_space<vmem>>
    %dma_start3A_142 = tpu.memref_squeeze %dma_start3A_141 : memref<1x128xi32, #tpu.memory_space<vmem>> -> memref<128xi32, #tpu.memory_space<vmem>>
    %dma_start3A_143 = arith.constant 0 : i32
    %dma_start3A_144 = arith.constant 0 : i32
    %dma_start3A_145 = tpu.memref_slice %arg2[%dma_start3A_143, %dma_start3A_144] : memref<1000000x128xf32, #tpu.memory_space<hbm>> -> memref<1000000x128xf32, #tpu.memory_space<hbm>>
    %dma_start3A_146 = tpu.memref_slice %arg7[%dma_start3A_135] : memref<4x!tpu.dma_semaphore, #tpu.memory_space<semaphore_mem>> -> memref<1x!tpu.dma_semaphore, #tpu.memory_space<semaphore_mem>>
    %dma_start3A_147 = tpu.memref_squeeze %dma_start3A_146 : memref<1x!tpu.dma_semaphore, #tpu.memory_space<semaphore_mem>> -> memref<!tpu.dma_semaphore, #tpu.memory_space<semaphore_mem>>
    tpu.enqueue_indirect_dma source(%dma_start3A_145 : memref<1000000x128xf32, #tpu.memory_space<hbm>>) target(%dma_start3A_139 : memref<128x128xf32, #tpu.memory_space<vmem>>) offsets(%dma_start3A_142 : memref<128xi32, #tpu.memory_space<vmem>>) semaphore(%dma_start3A_147 : memref<!tpu.dma_semaphore, #tpu.memory_space<semaphore_mem>>)
    %dma_start3A_148 = arith.constant 199 : i32
    %dma_start3A_149 = arith.constant 3 : i32
    %dma_start3A_150 = arith.constant 3 : i32
    %dma_start3A_151 = arith.constant 0 : i32
    %dma_start3A_152 = arith.constant 0 : i32
    %dma_start3A_153 = tpu.memref_slice %arg6[%dma_start3A_149, %dma_start3A_151, %dma_start3A_152] : memref<4x128x128xf32, #tpu.memory_space<vmem>> -> memref<1x128x128xf32, #tpu.memory_space<vmem>>
    %dma_start3A_154 = tpu.memref_squeeze %dma_start3A_153 : memref<1x128x128xf32, #tpu.memory_space<vmem>> -> memref<128x128xf32, #tpu.memory_space<vmem>>
    %dma_start3A_155 = arith.constant 0 : i32
    %dma_start3A_156 = tpu.memref_slice %arg5[%dma_start3A_148, %dma_start3A_155] : memref<200x128xi32, #tpu.memory_space<vmem>> -> memref<1x128xi32, #tpu.memory_space<vmem>>
    %dma_start3A_157 = tpu.memref_squeeze %dma_start3A_156 : memref<1x128xi32, #tpu.memory_space<vmem>> -> memref<128xi32, #tpu.memory_space<vmem>>
    %dma_start3A_158 = arith.constant 0 : i32
    %dma_start3A_159 = arith.constant 0 : i32
    %dma_start3A_160 = tpu.memref_slice %arg2[%dma_start3A_158, %dma_start3A_159] : memref<1000000x128xf32, #tpu.memory_space<hbm>> -> memref<1000000x128xf32, #tpu.memory_space<hbm>>
    %dma_start3A_161 = tpu.memref_slice %arg7[%dma_start3A_150] : memref<4x!tpu.dma_semaphore, #tpu.memory_space<semaphore_mem>> -> memref<1x!tpu.dma_semaphore, #tpu.memory_space<semaphore_mem>>
    %dma_start3A_162 = tpu.memref_squeeze %dma_start3A_161 : memref<1x!tpu.dma_semaphore, #tpu.memory_space<semaphore_mem>> -> memref<!tpu.dma_semaphore, #tpu.memory_space<semaphore_mem>>
    tpu.enqueue_indirect_dma source(%dma_start3A_160 : memref<1000000x128xf32, #tpu.memory_space<hbm>>) target(%dma_start3A_154 : memref<128x128xf32, #tpu.memory_space<vmem>>) offsets(%dma_start3A_157 : memref<128xi32, #tpu.memory_space<vmem>>) semaphore(%dma_start3A_162 : memref<!tpu.dma_semaphore, #tpu.memory_space<semaphore_mem>>)
    %dma_wait3A_163 = arith.constant 0 : i32
    %dma_wait3A_164 = arith.constant 2 : i32
    %dma_wait3A_165 = arith.constant 2 : i32
    %dma_wait3A_166 = arith.constant 0 : i32
    %dma_wait3A_167 = arith.constant 0 : i32
    %dma_wait3A_168 = tpu.memref_slice %arg6[%dma_wait3A_164, %dma_wait3A_166, %dma_wait3A_167] : memref<4x128x128xf32, #tpu.memory_space<vmem>> -> memref<1x128x128xf32, #tpu.memory_space<vmem>>
    %dma_wait3A_169 = tpu.memref_squeeze %dma_wait3A_168 : memref<1x128x128xf32, #tpu.memory_space<vmem>> -> memref<128x128xf32, #tpu.memory_space<vmem>>
    %dma_wait3A_170 = arith.constant 0 : i32
    %dma_wait3A_171 = tpu.memref_slice %arg5[%dma_wait3A_163, %dma_wait3A_170] : memref<200x128xi32, #tpu.memory_space<vmem>> -> memref<1x128xi32, #tpu.memory_space<vmem>>
    %dma_wait3A_172 = tpu.memref_squeeze %dma_wait3A_171 : memref<1x128xi32, #tpu.memory_space<vmem>> -> memref<128xi32, #tpu.memory_space<vmem>>
    %dma_wait3A_173 = arith.constant 0 : i32
    %dma_wait3A_174 = arith.constant 0 : i32
    %dma_wait3A_175 = tpu.memref_slice %arg2[%dma_wait3A_173, %dma_wait3A_174] : memref<1000000x128xf32, #tpu.memory_space<hbm>> -> memref<1000000x128xf32, #tpu.memory_space<hbm>>
    %dma_wait3A_176 = tpu.memref_slice %arg7[%dma_wait3A_165] : memref<4x!tpu.dma_semaphore, #tpu.memory_space<semaphore_mem>> -> memref<1x!tpu.dma_semaphore, #tpu.memory_space<semaphore_mem>>
    %dma_wait3A_177 = tpu.memref_squeeze %dma_wait3A_176 : memref<1x!tpu.dma_semaphore, #tpu.memory_space<semaphore_mem>> -> memref<!tpu.dma_semaphore, #tpu.memory_space<semaphore_mem>>
    tpu.wait_indirect_dma semaphore(%dma_wait3A_177 : memref<!tpu.dma_semaphore, #tpu.memory_space<semaphore_mem>>) src(%dma_wait3A_175 : memref<1000000x128xf32, #tpu.memory_space<hbm>>) dst(%dma_wait3A_169 : memref<128x128xf32, #tpu.memory_space<vmem>>)
    %add3A_178 = arith.constant 25344 : i32
    %add3A_179 = arith.addi %mul3A_2, %add3A_178 : i32
    %dma_start3A_180 = arith.constant 2 : i32
    %dma_start3A_181 = arith.constant 2 : i32
    %dma_start3A_182 = arith.constant 0 : i32
    %dma_start3A_183 = arith.constant 0 : i32
    %dma_start3A_184 = tpu.memref_slice %arg6[%dma_start3A_180, %dma_start3A_182, %dma_start3A_183] : memref<4x128x128xf32, #tpu.memory_space<vmem>> -> memref<1x128x128xf32, #tpu.memory_space<vmem>>
    %dma_start3A_185 = tpu.memref_squeeze %dma_start3A_184 : memref<1x128x128xf32, #tpu.memory_space<vmem>> -> memref<128x128xf32, #tpu.memory_space<vmem>>
    %dma_start3A_186 = arith.constant 0 : i32
    %dma_start3A_187 = tpu.memref_slice %arg4[%add3A_179, %dma_start3A_186] : memref<819200x128xf32, #tpu.memory_space<hbm>> -> memref<128x128xf32, #tpu.memory_space<hbm>>
    %dma_start3A_188 = tpu.memref_slice %arg8[%dma_start3A_181] : memref<4x!tpu.dma_semaphore, #tpu.memory_space<semaphore_mem>> -> memref<1x!tpu.dma_semaphore, #tpu.memory_space<semaphore_mem>>
    %dma_start3A_189 = tpu.memref_squeeze %dma_start3A_188 : memref<1x!tpu.dma_semaphore, #tpu.memory_space<semaphore_mem>> -> memref<!tpu.dma_semaphore, #tpu.memory_space<semaphore_mem>>
    %dma_start3A_190 = arith.constant 0 : i32
    %dma_start3A_191 = tpu.memref_slice %arg4[%add3A_179, %dma_start3A_190] : memref<819200x128xf32, #tpu.memory_space<hbm>> -> memref<128x128xf32, #tpu.memory_space<hbm>>
    %dma_start3A_192 = arith.constant 0 : i32
    %dma_start3A_193 = arith.constant 0 : i32
    %dma_start3A_194 = tpu.memref_slice %arg6[%dma_start3A_180, %dma_start3A_192, %dma_start3A_193] : memref<4x128x128xf32, #tpu.memory_space<vmem>> -> memref<1x128x128xf32, #tpu.memory_space<vmem>>
    %dma_start3A_195 = tpu.memref_squeeze %dma_start3A_194 : memref<1x128x128xf32, #tpu.memory_space<vmem>> -> memref<128x128xf32, #tpu.memory_space<vmem>>
    tpu.enqueue_dma source(%dma_start3A_195 : memref<128x128xf32, #tpu.memory_space<vmem>>) target(%dma_start3A_191 : memref<128x128xf32, #tpu.memory_space<hbm>>) target_semaphore(%dma_start3A_189 : memref<!tpu.dma_semaphore, #tpu.memory_space<semaphore_mem>>)
    %dma_wait3A_196 = arith.constant 0 : i32
    %dma_wait3A_197 = arith.constant 3 : i32
    %dma_wait3A_198 = arith.constant 3 : i32
    %dma_wait3A_199 = arith.constant 0 : i32
    %dma_wait3A_200 = arith.constant 0 : i32
    %dma_wait3A_201 = tpu.memref_slice %arg6[%dma_wait3A_197, %dma_wait3A_199, %dma_wait3A_200] : memref<4x128x128xf32, #tpu.memory_space<vmem>> -> memref<1x128x128xf32, #tpu.memory_space<vmem>>
    %dma_wait3A_202 = tpu.memref_squeeze %dma_wait3A_201 : memref<1x128x128xf32, #tpu.memory_space<vmem>> -> memref<128x128xf32, #tpu.memory_space<vmem>>
    %dma_wait3A_203 = arith.constant 0 : i32
    %dma_wait3A_204 = tpu.memref_slice %arg5[%dma_wait3A_196, %dma_wait3A_203] : memref<200x128xi32, #tpu.memory_space<vmem>> -> memref<1x128xi32, #tpu.memory_space<vmem>>
    %dma_wait3A_205 = tpu.memref_squeeze %dma_wait3A_204 : memref<1x128xi32, #tpu.memory_space<vmem>> -> memref<128xi32, #tpu.memory_space<vmem>>
    %dma_wait3A_206 = arith.constant 0 : i32
    %dma_wait3A_207 = arith.constant 0 : i32
    %dma_wait3A_208 = tpu.memref_slice %arg2[%dma_wait3A_206, %dma_wait3A_207] : memref<1000000x128xf32, #tpu.memory_space<hbm>> -> memref<1000000x128xf32, #tpu.memory_space<hbm>>
    %dma_wait3A_209 = tpu.memref_slice %arg7[%dma_wait3A_198] : memref<4x!tpu.dma_semaphore, #tpu.memory_space<semaphore_mem>> -> memref<1x!tpu.dma_semaphore, #tpu.memory_space<semaphore_mem>>
    %dma_wait3A_210 = tpu.memref_squeeze %dma_wait3A_209 : memref<1x!tpu.dma_semaphore, #tpu.memory_space<semaphore_mem>> -> memref<!tpu.dma_semaphore, #tpu.memory_space<semaphore_mem>>
    tpu.wait_indirect_dma semaphore(%dma_wait3A_210 : memref<!tpu.dma_semaphore, #tpu.memory_space<semaphore_mem>>) src(%dma_wait3A_208 : memref<1000000x128xf32, #tpu.memory_space<hbm>>) dst(%dma_wait3A_202 : memref<128x128xf32, #tpu.memory_space<vmem>>)
    %add3A_211 = arith.constant 25472 : i32
    %add3A_212 = arith.addi %mul3A_2, %add3A_211 : i32
    %dma_start3A_213 = arith.constant 3 : i32
    %dma_start3A_214 = arith.constant 3 : i32
    %dma_start3A_215 = arith.constant 0 : i32
    %dma_start3A_216 = arith.constant 0 : i32
    %dma_start3A_217 = tpu.memref_slice %arg6[%dma_start3A_213, %dma_start3A_215, %dma_start3A_216] : memref<4x128x128xf32, #tpu.memory_space<vmem>> -> memref<1x128x128xf32, #tpu.memory_space<vmem>>
    %dma_start3A_218 = tpu.memref_squeeze %dma_start3A_217 : memref<1x128x128xf32, #tpu.memory_space<vmem>> -> memref<128x128xf32, #tpu.memory_space<vmem>>
    %dma_start3A_219 = arith.constant 0 : i32
    %dma_start3A_220 = tpu.memref_slice %arg4[%add3A_212, %dma_start3A_219] : memref<819200x128xf32, #tpu.memory_space<hbm>> -> memref<128x128xf32, #tpu.memory_space<hbm>>
    %dma_start3A_221 = tpu.memref_slice %arg8[%dma_start3A_214] : memref<4x!tpu.dma_semaphore, #tpu.memory_space<semaphore_mem>> -> memref<1x!tpu.dma_semaphore, #tpu.memory_space<semaphore_mem>>
    %dma_start3A_222 = tpu.memref_squeeze %dma_start3A_221 : memref<1x!tpu.dma_semaphore, #tpu.memory_space<semaphore_mem>> -> memref<!tpu.dma_semaphore, #tpu.memory_space<semaphore_mem>>
    %dma_start3A_223 = arith.constant 0 : i32
    %dma_start3A_224 = tpu.memref_slice %arg4[%add3A_212, %dma_start3A_223] : memref<819200x128xf32, #tpu.memory_space<hbm>> -> memref<128x128xf32, #tpu.memory_space<hbm>>
    %dma_start3A_225 = arith.constant 0 : i32
    %dma_start3A_226 = arith.constant 0 : i32
    %dma_start3A_227 = tpu.memref_slice %arg6[%dma_start3A_213, %dma_start3A_225, %dma_start3A_226] : memref<4x128x128xf32, #tpu.memory_space<vmem>> -> memref<1x128x128xf32, #tpu.memory_space<vmem>>
    %dma_start3A_228 = tpu.memref_squeeze %dma_start3A_227 : memref<1x128x128xf32, #tpu.memory_space<vmem>> -> memref<128x128xf32, #tpu.memory_space<vmem>>
    tpu.enqueue_dma source(%dma_start3A_228 : memref<128x128xf32, #tpu.memory_space<vmem>>) target(%dma_start3A_224 : memref<128x128xf32, #tpu.memory_space<hbm>>) target_semaphore(%dma_start3A_222 : memref<!tpu.dma_semaphore, #tpu.memory_space<semaphore_mem>>)
    %dma_wait3A_229 = arith.constant 0 : i32
    %dma_wait3A_230 = arith.constant 0 : i32
    %dma_wait3A_231 = arith.constant 0 : i32
    %dma_wait3A_232 = arith.constant 0 : i32
    %dma_wait3A_233 = tpu.memref_slice %arg6[%dma_wait3A_229, %dma_wait3A_231, %dma_wait3A_232] : memref<4x128x128xf32, #tpu.memory_space<vmem>> -> memref<1x128x128xf32, #tpu.memory_space<vmem>>
    %dma_wait3A_234 = tpu.memref_squeeze %dma_wait3A_233 : memref<1x128x128xf32, #tpu.memory_space<vmem>> -> memref<128x128xf32, #tpu.memory_space<vmem>>
    %dma_wait3A_235 = arith.constant 0 : i32
    %dma_wait3A_236 = tpu.memref_slice %arg4[%mul3A_2, %dma_wait3A_235] : memref<819200x128xf32, #tpu.memory_space<hbm>> -> memref<128x128xf32, #tpu.memory_space<hbm>>
    %dma_wait3A_237 = tpu.memref_slice %arg8[%dma_wait3A_230] : memref<4x!tpu.dma_semaphore, #tpu.memory_space<semaphore_mem>> -> memref<1x!tpu.dma_semaphore, #tpu.memory_space<semaphore_mem>>
    %dma_wait3A_238 = tpu.memref_squeeze %dma_wait3A_237 : memref<1x!tpu.dma_semaphore, #tpu.memory_space<semaphore_mem>> -> memref<!tpu.dma_semaphore, #tpu.memory_space<semaphore_mem>>
    %dma_wait3A_239 = arith.constant 0 : i32
    %dma_wait3A_240 = tpu.memref_slice %arg4[%mul3A_2, %dma_wait3A_239] : memref<819200x128xf32, #tpu.memory_space<hbm>> -> memref<128x128xf32, #tpu.memory_space<hbm>>
    %dma_wait3A_241 = arith.constant 0 : i32
    %dma_wait3A_242 = arith.constant 0 : i32
    %dma_wait3A_243 = tpu.memref_slice %arg6[%dma_wait3A_229, %dma_wait3A_241, %dma_wait3A_242] : memref<4x128x128xf32, #tpu.memory_space<vmem>> -> memref<1x128x128xf32, #tpu.memory_space<vmem>>
    %dma_wait3A_244 = tpu.memref_squeeze %dma_wait3A_243 : memref<1x128x128xf32, #tpu.memory_space<vmem>> -> memref<128x128xf32, #tpu.memory_space<vmem>>
    tpu.wait_dma2 semaphore(%dma_wait3A_238 : memref<!tpu.dma_semaphore, #tpu.memory_space<semaphore_mem>>) src(%dma_wait3A_244 : memref<128x128xf32, #tpu.memory_space<vmem>>) dst(%dma_wait3A_240 : memref<128x128xf32, #tpu.memory_space<hbm>>)
    %dma_wait3A_245 = arith.constant 1 : i32
    %dma_wait3A_246 = arith.constant 1 : i32
    %dma_wait3A_247 = arith.constant 0 : i32
    %dma_wait3A_248 = arith.constant 0 : i32
    %dma_wait3A_249 = tpu.memref_slice %arg6[%dma_wait3A_245, %dma_wait3A_247, %dma_wait3A_248] : memref<4x128x128xf32, #tpu.memory_space<vmem>> -> memref<1x128x128xf32, #tpu.memory_space<vmem>>
    %dma_wait3A_250 = tpu.memref_squeeze %dma_wait3A_249 : memref<1x128x128xf32, #tpu.memory_space<vmem>> -> memref<128x128xf32, #tpu.memory_space<vmem>>
    %dma_wait3A_251 = arith.constant 0 : i32
    %dma_wait3A_252 = tpu.memref_slice %arg4[%mul3A_2, %dma_wait3A_251] : memref<819200x128xf32, #tpu.memory_space<hbm>> -> memref<128x128xf32, #tpu.memory_space<hbm>>
    %dma_wait3A_253 = tpu.memref_slice %arg8[%dma_wait3A_246] : memref<4x!tpu.dma_semaphore, #tpu.memory_space<semaphore_mem>> -> memref<1x!tpu.dma_semaphore, #tpu.memory_space<semaphore_mem>>
    %dma_wait3A_254 = tpu.memref_squeeze %dma_wait3A_253 : memref<1x!tpu.dma_semaphore, #tpu.memory_space<semaphore_mem>> -> memref<!tpu.dma_semaphore, #tpu.memory_space<semaphore_mem>>
    %dma_wait3A_255 = arith.constant 0 : i32
    %dma_wait3A_256 = tpu.memref_slice %arg4[%mul3A_2, %dma_wait3A_255] : memref<819200x128xf32, #tpu.memory_space<hbm>> -> memref<128x128xf32, #tpu.memory_space<hbm>>
    %dma_wait3A_257 = arith.constant 0 : i32
    %dma_wait3A_258 = arith.constant 0 : i32
    %dma_wait3A_259 = tpu.memref_slice %arg6[%dma_wait3A_245, %dma_wait3A_257, %dma_wait3A_258] : memref<4x128x128xf32, #tpu.memory_space<vmem>> -> memref<1x128x128xf32, #tpu.memory_space<vmem>>
    %dma_wait3A_260 = tpu.memref_squeeze %dma_wait3A_259 : memref<1x128x128xf32, #tpu.memory_space<vmem>> -> memref<128x128xf32, #tpu.memory_space<vmem>>
    tpu.wait_dma2 semaphore(%dma_wait3A_254 : memref<!tpu.dma_semaphore, #tpu.memory_space<semaphore_mem>>) src(%dma_wait3A_260 : memref<128x128xf32, #tpu.memory_space<vmem>>) dst(%dma_wait3A_256 : memref<128x128xf32, #tpu.memory_space<hbm>>)
    %dma_wait3A_261 = arith.constant 2 : i32
    %dma_wait3A_262 = arith.constant 2 : i32
    %dma_wait3A_263 = arith.constant 0 : i32
    %dma_wait3A_264 = arith.constant 0 : i32
    %dma_wait3A_265 = tpu.memref_slice %arg6[%dma_wait3A_261, %dma_wait3A_263, %dma_wait3A_264] : memref<4x128x128xf32, #tpu.memory_space<vmem>> -> memref<1x128x128xf32, #tpu.memory_space<vmem>>
    %dma_wait3A_266 = tpu.memref_squeeze %dma_wait3A_265 : memref<1x128x128xf32, #tpu.memory_space<vmem>> -> memref<128x128xf32, #tpu.memory_space<vmem>>
    %dma_wait3A_267 = arith.constant 0 : i32
    %dma_wait3A_268 = tpu.memref_slice %arg4[%mul3A_2, %dma_wait3A_267] : memref<819200x128xf32, #tpu.memory_space<hbm>> -> memref<128x128xf32, #tpu.memory_space<hbm>>
    %dma_wait3A_269 = tpu.memref_slice %arg8[%dma_wait3A_262] : memref<4x!tpu.dma_semaphore, #tpu.memory_space<semaphore_mem>> -> memref<1x!tpu.dma_semaphore, #tpu.memory_space<semaphore_mem>>
    %dma_wait3A_270 = tpu.memref_squeeze %dma_wait3A_269 : memref<1x!tpu.dma_semaphore, #tpu.memory_space<semaphore_mem>> -> memref<!tpu.dma_semaphore, #tpu.memory_space<semaphore_mem>>
    %dma_wait3A_271 = arith.constant 0 : i32
    %dma_wait3A_272 = tpu.memref_slice %arg4[%mul3A_2, %dma_wait3A_271] : memref<819200x128xf32, #tpu.memory_space<hbm>> -> memref<128x128xf32, #tpu.memory_space<hbm>>
    %dma_wait3A_273 = arith.constant 0 : i32
    %dma_wait3A_274 = arith.constant 0 : i32
    %dma_wait3A_275 = tpu.memref_slice %arg6[%dma_wait3A_261, %dma_wait3A_273, %dma_wait3A_274] : memref<4x128x128xf32, #tpu.memory_space<vmem>> -> memref<1x128x128xf32, #tpu.memory_space<vmem>>
    %dma_wait3A_276 = tpu.memref_squeeze %dma_wait3A_275 : memref<1x128x128xf32, #tpu.memory_space<vmem>> -> memref<128x128xf32, #tpu.memory_space<vmem>>
    tpu.wait_dma2 semaphore(%dma_wait3A_270 : memref<!tpu.dma_semaphore, #tpu.memory_space<semaphore_mem>>) src(%dma_wait3A_276 : memref<128x128xf32, #tpu.memory_space<vmem>>) dst(%dma_wait3A_272 : memref<128x128xf32, #tpu.memory_space<hbm>>)
    %dma_wait3A_277 = arith.constant 3 : i32
    %dma_wait3A_278 = arith.constant 3 : i32
    %dma_wait3A_279 = arith.constant 0 : i32
    %dma_wait3A_280 = arith.constant 0 : i32
    %dma_wait3A_281 = tpu.memref_slice %arg6[%dma_wait3A_277, %dma_wait3A_279, %dma_wait3A_280] : memref<4x128x128xf32, #tpu.memory_space<vmem>> -> memref<1x128x128xf32, #tpu.memory_space<vmem>>
    %dma_wait3A_282 = tpu.memref_squeeze %dma_wait3A_281 : memref<1x128x128xf32, #tpu.memory_space<vmem>> -> memref<128x128xf32, #tpu.memory_space<vmem>>
    %dma_wait3A_283 = arith.constant 0 : i32
    %dma_wait3A_284 = tpu.memref_slice %arg4[%mul3A_2, %dma_wait3A_283] : memref<819200x128xf32, #tpu.memory_space<hbm>> -> memref<128x128xf32, #tpu.memory_space<hbm>>
    %dma_wait3A_285 = tpu.memref_slice %arg8[%dma_wait3A_278] : memref<4x!tpu.dma_semaphore, #tpu.memory_space<semaphore_mem>> -> memref<1x!tpu.dma_semaphore, #tpu.memory_space<semaphore_mem>>
    %dma_wait3A_286 = tpu.memref_squeeze %dma_wait3A_285 : memref<1x!tpu.dma_semaphore, #tpu.memory_space<semaphore_mem>> -> memref<!tpu.dma_semaphore, #tpu.memory_space<semaphore_mem>>
    %dma_wait3A_287 = arith.constant 0 : i32
    %dma_wait3A_288 = tpu.memref_slice %arg4[%mul3A_2, %dma_wait3A_287] : memref<819200x128xf32, #tpu.memory_space<hbm>> -> memref<128x128xf32, #tpu.memory_space<hbm>>
    %dma_wait3A_289 = arith.constant 0 : i32
    %dma_wait3A_290 = arith.constant 0 : i32
    %dma_wait3A_291 = tpu.memref_slice %arg6[%dma_wait3A_277, %dma_wait3A_289, %dma_wait3A_290] : memref<4x128x128xf32, #tpu.memory_space<vmem>> -> memref<1x128x128xf32, #tpu.memory_space<vmem>>
    %dma_wait3A_292 = tpu.memref_squeeze %dma_wait3A_291 : memref<1x128x128xf32, #tpu.memory_space<vmem>> -> memref<128x128xf32, #tpu.memory_space<vmem>>
    tpu.wait_dma2 semaphore(%dma_wait3A_286 : memref<!tpu.dma_semaphore, #tpu.memory_space<semaphore_mem>>) src(%dma_wait3A_292 : memref<128x128xf32, #tpu.memory_space<vmem>>) dst(%dma_wait3A_288 : memref<128x128xf32, #tpu.memory_space<hbm>>)
    return
  }
}

</mosaic_0001>

<sc_bundles>
// kernel: gather.3.cloned.1.call-start
scs
__scs_entry_jumppad:
0x0: {  	(pc) =	sbr.rel $0x88, $3  }
0x1: {  	(tag) =	ssettag $0x0;
	lr =	simm.s32 $0x1  }
0x2: {  	[smem:$0x3F9F] =	sst lr;
	_ =	strace $0xD0000000  }
0x3: {  	_ = 	snop  }
0x4: {  	_ = 	snop  }
0x5: {  	_ = 	snop  }
0x6: {  	_ = 	snop  }
0x7: {  	_ = 	snop  }
__scs_overlays_trampoline_lowered:
0x8: {  	[smem:$0x3FAE] =	sst s0  }
0x9: {  	[smem:$0x3FAF] =	sst s1  }
0xa: {  	[smem:$0x3FB0] =	sst s2  }
0xb: {  	[smem:$0x3FB1] =	sst s3  }
0xc: {  	[smem:$0x3FB2] =	sst s4  }
0xd: {  	[smem:$0x3FB3] =	sst s5  }
0xe: {  	[smem:$0x3FB4] =	sst s6  }
0xf: {  	[smem:$0x3FB5] =	sst s7  }
0x10: {  	[smem:$0x3FB6] =	sst s8  }
0x11: {  	[smem:$0x3FB7] =	sst s9;
	s0 =	simm.s32 @!p0 $0x0  }
0x12: {  	s1 =	sld [smem:$0x3F9D];
	s0 =	simm.s32 @p0 $0x1  }
0x13: {  	[smem:$0x3FB8] =	sst s0;
	s0 =	simm.s32 @!p1 $0x0  }
0x14: {  	s2 =	sld [smem:$0x3F9C];
	s0 =	simm.s32 @p1 $0x1  }
0x15: {  	[smem:$0x3FB9] =	sst s0;
	s0 =	simm.s32 @!p2 $0x0  }
0x16: {  	s3 =	sld [smem:$0x3FDB];
	s0 =	simm.s32 @p2 $0x1  }
0x17: {  	s4 =	simm.s32 $0x1BF5;
	[smem:$0x3FBB] =	sst s0  }
0x18: {  	s0 =	sld [smem:$0x3F9E];
	_ =	swait.ge [sflag:s4], $0x0  }
0x19: {  	s7 =	sld [smem:$0x3F9F]  }
0x1a: {  	s8 =	sadd.s32 $0xFFFFE003, lr  }
0x1b: {  	s9 =	sadd.s32 $0xFFFFFEF7, lr;
	s5 =	simm.s32 $0xFFFFFFFF;
	p2 =	slt.u32 s8, $0xFFFFF086  }
0x1c: {  	p1 =	slt.u32 s9, $0xF7A;
	s5 =	simm.s32 @!p2 $0x0  }
0x1d: {  	s5 =	simm.s32 @p1 $0x1;
	p0 =	seq.s32 s7, s2  }
0x1e: {  	s7 =	smul.u32 @!p0 $0xF7A, s2;
	p2 =	seq.s32 @!p0 s5, $0x0  }
0x1f: {  	s9 =	smul.u32 $0xF7A, s1;
	s8 =	simm.s32 @!p0 $0x1BF5;
	p2 =	por !p2, p0  }
0x20: {  	[sflag:s8] =	ssyncset.s32 @!p0 $0xFFFFF086;
	s6 =	sadd.s32 @!p0 s3, s7;
	s7 =	simm.s32 @!p0 $0x108  }
0x21: {  	s3 =	sadd.s32 s3, s9;
	s6 =	sadd.s32 @!p0 $0x88, s6;
	s7 =	simm.s32 @p2 $0x1082  }
0x22: {  	[simem:s7], [sflag:s8] =	dma.local @!p0 [hbm:s6], $0xF7A  }
0x23: {  	s9 =	sor.u32 $0xD0000000, s2;
	s6 =	simm.s32 $0x108;
	_ =	swait.ge @!p0 [sflag:s8], $0x0  }
0x24: {  	s3 =	sadd.s32 $0x88, s3;
	s6 =	simm.s32 @!p1 $0x1082;
	[sflag:s4] =	ssyncset.s32 $0xFFFFF086  }
0x25: {  	[simem:s6], [sflag:s4] =	dma.local [hbm:s3], $0xF7A  }
0x26: {  	[smem:$0x3F9F] =	sst s1;
	(tag) =	ssettag s2;
	_ =	strace s9  }
0x27: {  	s1 =	sld [smem:$0x3FAF]  }
0x28: {  	s2 =	sld [smem:$0x3FB0]  }
0x29: {  	s4 =	sld [smem:$0x3FB2]  }
0x2a: {  	p0 =	seq.s32 s5, $0x0;
	s5 =	sld [smem:$0x3FB3]  }
0x2b: {  	s6 =	sld [smem:$0x3FB4]  }
0x2c: {  	s7 =	sld [smem:$0x3FB5]  }
0x2d: {  	s3 =	simm.s32 $0x108;
	s8 =	sld [smem:$0x3FB6]  }
0x2e: {  	s3 =	simm.s32 @!p0 $0x1082;
	s9 =	sld [smem:$0x3FB7]  }
0x2f: {  	lr =	sadd.s32 s0, s3;
	s0 =	sld [smem:$0x3FAE]  }
0x30: {  	s3 =	sld [smem:$0x3FB1]  }
0x31: {  	[smem:$0x3FBA] =	sst s10  }
0x32: {  	s10 =	sld [smem:$0x3FB8];
	_ =	sdelay $0x3  }
0x33: {  	p0 =	seq.s32 s10, $0x1;
	s10 =	sld [smem:$0x3FBA];
	_ =	sdelay $0x3  }
0x34: {  	[smem:$0x3FBA] =	sst s10  }
0x35: {  	s10 =	sld [smem:$0x3FB9];
	_ =	sdelay $0x3  }
0x36: {  	p1 =	seq.s32 s10, $0x1;
	s10 =	sld [smem:$0x3FBA];
	_ =	sdelay $0x3  }
0x37: {  	[smem:$0x3FBA] =	sst s10  }
0x38: {  	s10 =	sld [smem:$0x3FBB]  }
0x39: {  	_ = 	snop;
	(pc) =	sbr.ind lr, $3  }
0x3a: {  	_ = 	snop  }
0x3b: {  	_ = 	snop  }
0x3c: {  	p2 =	seq.s32 s10, $0x1;
	s10 =	sld [smem:$0x3FBA]  }
0x3d: {  	_ =	shalt  }
0x3e: {  	_ =	shalt  }
0x3f: {  	_ =	shalt  }
0x40: {  	_ =	shalt  }
0x41: {  	_ =	shalt  }
0x42: {  	_ =	shalt  }
0x43: {  	_ =	shalt  }
0x44: {  	_ =	shalt  }
0x45: {  	_ =	shalt  }
0x46: {  	_ =	shalt  }
0x47: {  	_ =	shalt  }
0x48: {  	_ =	shalt  }
0x49: {  	_ =	shalt  }
0x4a: {  	_ =	shalt  }
0x4b: {  	_ =	shalt  }
0x4c: {  	_ =	shalt  }
0x4d: {  	_ =	shalt  }
0x4e: {  	_ =	shalt  }
0x4f: {  	_ =	shalt  }
0x50: {  	_ =	shalt  }
0x51: {  	_ =	shalt  }
0x52: {  	_ =	shalt  }
0x53: {  	_ =	shalt  }
0x54: {  	_ =	shalt  }
0x55: {  	_ =	shalt  }
0x56: {  	_ =	shalt  }
0x57: {  	_ =	shalt  }
0x58: {  	_ =	shalt  }
0x59: {  	_ =	shalt  }
0x5a: {  	_ =	shalt  }
0x5b: {  	_ =	shalt  }
0x5c: {  	_ =	shalt  }
0x5d: {  	_ =	shalt  }
0x5e: {  	_ =	shalt  }
0x5f: {  	_ =	shalt  }
0x60: {  	_ =	shalt  }
0x61: {  	_ =	shalt  }
0x62: {  	_ =	shalt  }
0x63: {  	_ =	shalt  }
0x64: {  	_ =	shalt  }
0x65: {  	_ =	shalt  }
0x66: {  	_ =	shalt  }
0x67: {  	_ =	shalt  }
0x68: {  	_ =	shalt  }
0x69: {  	_ =	shalt  }
0x6a: {  	_ =	shalt  }
0x6b: {  	_ =	shalt  }
0x6c: {  	_ =	shalt  }
0x6d: {  	_ =	shalt  }
0x6e: {  	_ =	shalt  }
0x6f: {  	_ =	shalt  }
0x70: {  	_ =	shalt  }
0x71: {  	_ =	shalt  }
0x72: {  	_ =	shalt  }
0x73: {  	_ =	shalt  }
0x74: {  	_ =	shalt  }
0x75: {  	_ =	shalt  }
0x76: {  	_ =	shalt  }
0x77: {  	_ =	shalt  }
0x78: {  	_ =	shalt  }
0x79: {  	_ =	shalt  }
0x7a: {  	_ =	shalt  }
0x7b: {  	_ =	shalt  }
0x7c: {  	_ =	shalt  }
0x7d: {  	_ =	shalt  }
0x7e: {  	_ =	shalt  }
0x7f: {  	_ =	shalt  }
0x80: {  	_ =	shalt  }
0x81: {  	_ =	shalt  }
0x82: {  	_ =	shalt  }
0x83: {  	_ =	shalt  }
0x84: {  	_ =	shalt  }
0x85: {  	_ =	shalt  }
0x86: {  	_ =	shalt  }
0x87: {  	_ =	shalt  }
.Lfunc_end0:
.L_simem_size_0:
called_computation_lowered:
.L_overlay_start_0:
0x88: {  	s2 =	sld [smem:$0x3FD9]  }
0x89: {  	s3 =	sld [smem:$0x3FFE];
	_ =	sdelay $0x1  }
0x8a: {  	s1 =	srdreg.scid  }
0x8b: {  	s0 =	sand.u32 $0x1, s1  }
0x8c: {  	s18 =	sshll.u32 s0, $0xA;
	s2 =	sadd.s32 s3, s2  }
0x8d: {  	s2 =	sadd.s32 s2, s18  }
0x8e: {  	[smem:$0x3FC6] =	sst s2  }
0x8f: {  	_ = 	snop  }
0x90: {  	s2 =	sld [smem:$0x3FC9]  }
0x91: {  	s19 =	sld [smem:$0x3FC8]  }
0x92: {  	s4 =	sld [smem:$0x3FD0];
	(tm) =	ssettm $0x1  }
0x93: {  	s5 =	sld [smem:$0x3FFB];
	_ =	sdelay $0x3  }
0x94: {  	_ =	strace s5  }
0x95: {  	s5 =	sld [smem:$0x3FFC];
	_ =	sdelay $0x3  }
0x96: {  	_ =	strace s5  }
0x97: {  	s5 =	sld [smem:$0x3FFD];
	_ =	sdelay $0x3  }
0x98: {  	_ =	strace s5  }
0x99: {  	_ =	strace $0x8FFFFFFF  }
0x9a: {  	s20 =	sld [smem:$0x3FDB];
	_ =	sdelay $0x1  }
0x9b: {  	s6 =	simm.s32 $_scs_section_size  }
0x9c: {  	s7 =	simm.s32 $_size__tile_overlayer_lowered;
	s8 =	simm.s32 $_tile_overlayer_lowered  }
0x9d: {  	s23 =	simm.s32 $0x1BFF;
	s22 =	sshll.u32 s8, $0x1;
	s5 =	sadd.s32 s6, s20  }
0x9e: {  	s9 =	simm.s32 $0x0;
	s21 =	sshll.u32 s7, $0x1;
	s7 =	sadd.s32 s22, s5  }
0x9f: {  	[timem:s9], [sflag:s23] =	dma.local [hbm:s7], s21  }
0xa0: {  	_ =	swait.ge [sflag:s23], s21  }
0xa1: {  	s6 =	ssub.s32 $0x0, s21;
	[sflag:s23] =	ssyncset.done $0x0  }
0xa2: {  	[sflag:s23] =	ssyncadd.s32 s6;
	_ =	sdelay $0x1  }
0xa3: {  	s24 =	simm.s32 $0x1B8B  }
0xa4: {  	_ =	swait.ge [sflag:s24], $0x1  }
0xa5: {  	[sflag:s24] =	ssyncset.done $0x0  }
0xa6: {  	s25 =	simm.s32 $0x1B8E;
	[sflag:s24] =	ssyncadd.s32 $0xFFFFFFFF  }
0xa7: {  	s26 =	simm.s32 $execute0_lowered;
	[smem:$0x3FD2] =	sst s25  }
0xa8: {  	s6 =	sshll.u32 s26, $0x1;
	_ =	strace $0x80000046;
	[dreg:$0x1] =	wrdreg $0xFFFFFFFF  }
0xa9: {  	s28 =	simm.s32 $_size_execute0_lowered;
	s5 =	sadd.s32 s5, s6;
	[dreg:$0x0] =	wrdreg $0x0  }
0xaa: {  	s6 =	sshll.u32 s28, $0x1;
	[dreg:$0x2] =	wrdreg s5  }
0xab: {  	[dreg:$0x3] =	wrdreg s6  }
0xac: {  	[dreg:$0x4] =	wrdreg $0xC0  }
0xad: {  	_ =	task [dreg:s9], $0x5FFFF  }
0xae: {  	[dreg:$0x1] =	wrdreg $0xFFFFFFFF  }
0xaf: {  	[dreg:$0x0] =	wrdreg $0x60  }
0xb0: {  	[dreg:$0x2] =	wrdreg s2  }
0xb1: {  	[dreg:$0x3] =	wrdreg s19  }
0xb2: {  	[dreg:$0x4] =	wrdreg s4  }
0xb3: {  	[dreg:$0x5] =	wrdreg $0x9  }
0xb4: {  	_ =	task.clear_ibuf [dreg:s9], $0x6FFFF;
	_ =	strace $0x90000046  }
0xb5: {  	s29 =	simm.s32 $0x9;
	_ =	strace $0x80000048  }
0xb6: {  	_ =	swait.ge [sflag:s29], $0x1  }
0xb7: {  	[sflag:s29] =	ssyncadd.s32 $0xFFFFFFFF  }
0xb8: {  	_ =	strace $0x90000048  }
0xb9: {  	_ =	sfence  }
0xba: {  	s30 =	sld [smem:$0x0];
	_ =	sdelay $0x2  }
0xbb: {  	s31 =	sshll.u32 s1, $0xD;
	s1 =	sshrl.u32 s1, $0x2  }
0xbc: {  	s3 =	sand.u32 $0x4000, s31;
	s1 =	sadd.s32 s1, s30  }
0xbd: {  	s0 =	sor.u32 s3, s0;
	s1 =	sshll.u32 s1, $0x11  }
0xbe: {  	s0 =	sor.u32 s1, s0  }
0xbf: {  	s0 =	sadd.s32 $0x8F2B, s0  }
0xc0: {  	[sflag:s0] =	ssyncadd.remote.s32 $0x1  }
0xc1: {  	_ =	sfence.sel $0xFFFF  }
0xc2: {  	[dreg:$0x0] =	wrdreg $0xFFFFFFFF;
	(pc) =	sbr.abs _section_cstart, $3  }
0xc3: {  	[dreg:$0x1] =	wrdreg $0xFFFFFFFF  }
0xc4: {  	_ =	task.clear_ibuf [dreg:s9], $0x2FFFF;
	_ =	strace $0x9FFFFFFF  }
0xc5: {  	(tm) =	ssettm $0x7FFFFFFF  }
tec
execute0_lowered:
.L_overlay_start_1:
0x0: {  	(tag) =	ssettag $0x1  }
0x1: {  	s1 =	rddreg [dreg:$0x0]  }
0x2: {  	s0 =	srdreg.scid;
	s2 =	rddreg [dreg:$0x1]  }
0x3: {  	s15 =	stileid.u32;
	s4 =	rddreg [dreg:$0x2];
	s16 =	simm.s32 $0x9  }
0x4: {  	s17 =	simm.s32 $0x80;
	s18 =	simm.s32 $0x6400;
	s19 =	simm.s32 $0xA400  }
0x5: {  	s20 =	simm.s32 $0x1;
	s21 =	simm.s32 $0x2;
	s12 =	smul.u32 $0x640000, s15  }
0x6: {  	s28 =	simm.s32 $0x4;
	s0 =	sand.u32 $0x1, s0;
	s31 =	smul.u32 $0xC8000, s15  }
0x7: {  	s29 =	simm.s32 $0x5;
	s3 =	sshll.u32 s15, $0x1;
	s13 =	smul.u32 $0x320000, s0  }
0x8: {  	s11 =	sor.u32 s0, s3;
	s6 =	ssub.s32 $0x2, s0;
	s0 =	smul.u32 $0x64000, s0  }
0x9: {  	s30 =	simm.s32 $0x6;
	s3 =	simm.s32 $0x0;
	s5 =	smul.u32 $0x6400, s11  }
0xa: {  	[smem:$0x7FF] =	sst s3;
	s7 =	smul.u32 $0x320000, s11;
	s8 =	sshrl.u32 s6, $0x1  }
0xb: {  	s14 =	smul.u32 $0x64000, s11;
	s15 =	sadd.s32 s31, s4;
	_ =	strace $0x80000047  }
0xc: {  	s10 =	ssub.s32 s6, s8;
	s26 =	sadd.s32 s13, s12;
	s15 =	sadd.s32 s0, s15  }
0xd: {  	s0 =	simm.s32 $0x7;
	s22 =	sshrl.u32 s5, $0x3;
	s7 =	sshrl.u32 s7, $0x3  }
0xe: {  	s23 =	sshll.u32 s5, $0x4;
	s10 =	smax.u32 s10, $0x1;
	s14 =	sadd.s32 s14, s4  }
0xf: {  	s2 =	sadd.s32 s2, s22;
	s5 =	sadd.s32 s4, s7;
	s12 =	sadd.s32 $0x1000, s14  }
0x10: {  	s13 =	sadd.s32 $0x1800, s14;
	s22 =	simm.s32 $0x8;
	[dreg:$0x4] =	wrdreg s2  }
0x11: {  	s24 =	sadd.s32 $0x62000, s5;
	s25 =	sadd.s32 $0x62800, s5;
	s8 =	sadd.s32 $0x63000, s5  }
0x12: {  	s9 =	sadd.s32 $0x63800, s5;
	s2 =	sadd.s32 s23, s4;
	s23 =	simm.s32 $0xE400  }
0x13: {  	[dreg:$0x5] =	wrdreg s24;
	s11 =	sadd.s32 $0x800, s2;
	s2 =	sor.u32 $0x10000, s26  }
0x14: {  	[dreg:$0x6] =	wrdreg s25;
	s25 =	simm.s32 $0x12400;
	s2 =	sshrl.u32 s2, $0x3  }
0x15: {  	s26 =	simm.s32 $0x3;
	s14 =	sadd.s32 s2, s4;
	s2 =	simm.s32 $0x0  }
.LBB2_1:
0x16: {  	s4 =	rddreg [dreg:$0x4]  }
0x17: {  	[tilespmem:s3], [sflag:$0x9] =	stream.linear.gather [hbm4b:s4+s3], $0x6400, $0x38;
	[tilespmem:$0x16400] =	vst v63  }
0x18: {  	_ =	swait.ge [sflag:s16], $0x6400  }
0x19: {  	[sflag:s16] =	ssyncset.done $0x0  }
0x1a: {  	[sflag:s16] =	ssyncadd.s32 $0xFFFF9C00  }
0x1b: {  	[tilespmem:s18], [sflag:$0x1] =	stream.indirect.gather [hbm4b:s1+s17], $0x80, s3, s17, $0xb8;
	[tilespmem:$0x16400] =	vst v63  }
0x1c: {  	_ = 	snop  }
0x1d: {  	[tilespmem:s19], [sflag:$0x2] =	stream.indirect.gather [hbm4b:s1+s17], $0x80, s17, s17, $0xb8;
	[tilespmem:$0x16400] =	vst v63  }
0x1e: {  	_ =	swait.ge [sflag:s20], $0x4000  }
0x1f: {  	[sflag:s20] =	ssyncset.done $0x0  }
0x20: {  	[sflag:s20] =	ssyncadd.s32 $0xFFFFC000  }
0x21: {  	[hbm4b:s5+s3] =	stream.linear.scatter [tilespmem:s18], [sflag:$0x5], $0x4000, $0x38;
	[tilespmem:$0x16400] =	vst v63  }
0x22: {  	_ =	swait.ge [sflag:s21], $0x4000  }
0x23: {  	[sflag:s21] =	ssyncset.done $0x0  }
0x24: {  	[sflag:s21] =	ssyncadd.s32 $0xFFFFC000  }
0x25: {  	[hbm4b:s11+s3] =	stream.linear.scatter [tilespmem:s19], [sflag:$0x6], $0x4000, $0x38;
	[tilespmem:$0x16400] =	vst v63  }
0x26: {  	s24 =	simm.s32 $0x100  }
0x27: {  	[tilespmem:s23], [sflag:$0x3] =	stream.indirect.gather [hbm4b:s1+s17], $0x80, s24, s17, $0xb8;
	[tilespmem:$0x16400] =	vst v63  }
0x28: {  	s6 =	simm.s32 $0x180  }
0x29: {  	[tilespmem:s25], [sflag:$0x4] =	stream.indirect.gather [hbm4b:s1+s17], $0x80, s6, s17, $0xb8;
	[tilespmem:$0x16400] =	vst v63  }
0x2a: {  	_ =	swait.ge [sflag:s26], $0x4000  }
0x2b: {  	[sflag:s26] =	ssyncset.done $0x0  }
0x2c: {  	[sflag:s26] =	ssyncadd.s32 $0xFFFFC000  }
0x2d: {  	[hbm4b:s12+s3] =	stream.linear.scatter [tilespmem:s23], [sflag:$0x7], $0x4000, $0x38;
	[tilespmem:$0x16400] =	vst v63  }
0x2e: {  	_ =	swait.ge [sflag:s28], $0x4000  }
0x2f: {  	[sflag:s28] =	ssyncset.done $0x0  }
0x30: {  	[sflag:s28] =	ssyncadd.s32 $0xFFFFC000  }
0x31: {  	[hbm4b:s13+s3] =	stream.linear.scatter [tilespmem:s25], [sflag:$0x8], $0x4000, $0x38;
	[tilespmem:$0x16400] =	vst v63  }
0x32: {  	_ =	swait.ge [sflag:s29], $0x4000  }
0x33: {  	[sflag:s29] =	ssyncset.done $0x0  }
0x34: {  	[sflag:s29] =	ssyncadd.s32 $0xFFFFC000  }
0x35: {  	_ =	swait.ge [sflag:s30], $0x4000  }
0x36: {  	[sflag:s30] =	ssyncset.done $0x0  }
0x37: {  	s7 =	simm.s32 $0x200;
	[sflag:s30] =	ssyncadd.s32 $0xFFFFC000  }
0x38: {  	[tilespmem:s18], [sflag:$0x1] =	stream.indirect.gather [hbm4b:s1+s17], $0x80, s7, s17, $0xb8;
	[tilespmem:$0x16400] =	vst v63  }
0x39: {  	s24 =	simm.s32 $0x280  }
0x3a: {  	[tilespmem:s19], [sflag:$0x2] =	stream.indirect.gather [hbm4b:s1+s17], $0x80, s24, s17, $0xb8;
	[tilespmem:$0x16400] =	vst v63  }
0x3b: {  	_ =	swait.ge [sflag:s20], $0x4000  }
0x3c: {  	[sflag:s20] =	ssyncset.done $0x0  }
0x3d: {  	s6 =	sadd.s32 $0x0, s14;
	[sflag:s20] =	ssyncadd.s32 $0xFFFFC000  }
0x3e: {  	[hbm4b:s6+s3] =	stream.linear.scatter [tilespmem:s18], [sflag:$0x5], $0x4000, $0x38;
	[tilespmem:$0x16400] =	vst v63  }
0x3f: {  	_ =	swait.ge [sflag:s21], $0x4000  }
0x40: {  	s4 =	sadd.s32 $0x0, s15;
	[sflag:s21] =	ssyncset.done $0x0  }
0x41: {  	s24 =	sadd.s32 $0x2800, s4;
	[sflag:s21] =	ssyncadd.s32 $0xFFFFC000  }
0x42: {  	[hbm4b:s24+s3] =	stream.linear.scatter [tilespmem:s19], [sflag:$0x6], $0x4000, $0x38;
	[tilespmem:$0x16400] =	vst v63  }
0x43: {  	_ =	swait.ge [sflag:s0], $0x4000  }
0x44: {  	[sflag:s0] =	ssyncset.done $0x0  }
0x45: {  	[sflag:s0] =	ssyncadd.s32 $0xFFFFC000  }
0x46: {  	_ =	swait.ge [sflag:s22], $0x4000  }
0x47: {  	[sflag:s22] =	ssyncset.done $0x0  }
0x48: {  	s7 =	simm.s32 $0x300;
	[sflag:s22] =	ssyncadd.s32 $0xFFFFC000  }
0x49: {  	[tilespmem:s23], [sflag:$0x3] =	stream.indirect.gather [hbm4b:s1+s17], $0x80, s7, s17, $0xb8;
	[tilespmem:$0x16400] =	vst v63  }
0x4a: {  	s6 =	simm.s32 $0x380  }
0x4b: {  	[tilespmem:s25], [sflag:$0x4] =	stream.indirect.gather [hbm4b:s1+s17], $0x80, s6, s17, $0xb8;
	[tilespmem:$0x16400] =	vst v63  }
0x4c: {  	_ =	swait.ge [sflag:s26], $0x4000  }
0x4d: {  	[sflag:s26] =	ssyncset.done $0x0  }
0x4e: {  	s7 =	sadd.s32 $0x3000, s4;
	[sflag:s26] =	ssyncadd.s32 $0xFFFFC000  }
0x4f: {  	[hbm4b:s7+s3] =	stream.linear.scatter [tilespmem:s23], [sflag:$0x7], $0x4000, $0x38;
	[tilespmem:$0x16400] =	vst v63  }
0x50: {  	_ =	swait.ge [sflag:s28], $0x4000  }
0x51: {  	[sflag:s28] =	ssyncset.done $0x0  }
0x52: {  	s4 =	sadd.s32 $0x3800, s4;
	[sflag:s28] =	ssyncadd.s32 $0xFFFFC000  }
0x53: {  	[hbm4b:s4+s3] =	stream.linear.scatter [tilespmem:s25], [sflag:$0x8], $0x4000, $0x38;
	[tilespmem:$0x16400] =	vst v63  }
0x54: {  	_ =	swait.ge [sflag:s29], $0x4000  }
0x55: {  	[sflag:s29] =	ssyncset.done $0x0  }
0x56: {  	[sflag:s29] =	ssyncadd.s32 $0xFFFFC000  }
0x57: {  	_ =	swait.ge [sflag:s30], $0x4000  }
0x58: {  	[sflag:s30] =	ssyncset.done $0x0  }
0x59: {  	s24 =	simm.s32 $0x400;
	[sflag:s30] =	ssyncadd.s32 $0xFFFFC000  }
0x5a: {  	[tilespmem:s18], [sflag:$0x1] =	stream.indirect.gather [hbm4b:s1+s17], $0x80, s24, s17, $0xb8;
	[tilespmem:$0x16400] =	vst v63  }
0x5b: {  	s31 =	simm.s32 $0x2000;
	s4 =	simm.s32 $0x680;
	s24 =	simm.s32 $0x480  }
.LBB2_2:
0x5c: {  	[tilespmem:s19], [sflag:$0x2] =	stream.indirect.gather [hbm4b:s1+s17], $0x80, s24, s17, $0xb8;
	[tilespmem:$0x16400] =	vst v63  }
0x5d: {  	s6 =	smov.u32 s31;
	s24 =	smov.u32 s4  }
0x5e: {  	p0 =	sne.s32 s31, $0x5E000;
	s31 =	sadd.s32 $0x2000, s31;
	_ =	swait.ge [sflag:s20], $0x4000  }
0x5f: {  	[sflag:s20] =	ssyncset.done $0x0  }
0x60: {  	s7 =	sadd.s32 s6, s14;
	[sflag:s20] =	ssyncadd.s32 $0xFFFFC000  }
0x61: {  	[hbm4b:s7+s3] =	stream.linear.scatter [tilespmem:s18], [sflag:$0x5], $0x4000, $0x38;
	[tilespmem:$0x16400] =	vst v63  }
0x62: {  	_ =	swait.ge [sflag:s21], $0x4000  }
0x63: {  	s6 =	sadd.s32 s6, s15;
	[sflag:s21] =	ssyncset.done $0x0  }
0x64: {  	s7 =	sadd.s32 $0x2800, s6;
	[sflag:s21] =	ssyncadd.s32 $0xFFFFC000  }
0x65: {  	[hbm4b:s7+s3] =	stream.linear.scatter [tilespmem:s19], [sflag:$0x6], $0x4000, $0x38;
	[tilespmem:$0x16400] =	vst v63  }
0x66: {  	_ =	swait.ge [sflag:s0], $0x4000  }
0x67: {  	[sflag:s0] =	ssyncset.done $0x0  }
0x68: {  	[sflag:s0] =	ssyncadd.s32 $0xFFFFC000  }
0x69: {  	_ =	swait.ge [sflag:s22], $0x4000  }
0x6a: {  	[sflag:s22] =	ssyncset.done $0x0  }
0x6b: {  	s7 =	sadd.s32 $0xFFFFFE80, s4;
	[sflag:s22] =	ssyncadd.s32 $0xFFFFC000  }
0x6c: {  	[tilespmem:s23], [sflag:$0x3] =	stream.indirect.gather [hbm4b:s1+s17], $0x80, s7, s17, $0xb8;
	[tilespmem:$0x16400] =	vst v63  }
0x6d: {  	s7 =	sadd.s32 $0xFFFFFF00, s4  }
0x6e: {  	[tilespmem:s25], [sflag:$0x4] =	stream.indirect.gather [hbm4b:s1+s17], $0x80, s7, s17, $0xb8;
	[tilespmem:$0x16400] =	vst v63  }
0x6f: {  	_ =	swait.ge [sflag:s26], $0x4000  }
0x70: {  	[sflag:s26] =	ssyncset.done $0x0  }
0x71: {  	s7 =	sadd.s32 $0x3000, s6;
	[sflag:s26] =	ssyncadd.s32 $0xFFFFC000  }
0x72: {  	[hbm4b:s7+s3] =	stream.linear.scatter [tilespmem:s23], [sflag:$0x7], $0x4000, $0x38;
	[tilespmem:$0x16400] =	vst v63  }
0x73: {  	_ =	swait.ge [sflag:s28], $0x4000  }
0x74: {  	[sflag:s28] =	ssyncset.done $0x0  }
0x75: {  	s6 =	sadd.s32 $0x3800, s6;
	[sflag:s28] =	ssyncadd.s32 $0xFFFFC000  }
0x76: {  	[hbm4b:s6+s3] =	stream.linear.scatter [tilespmem:s25], [sflag:$0x8], $0x4000, $0x38;
	[tilespmem:$0x16400] =	vst v63  }
0x77: {  	_ =	swait.ge [sflag:s29], $0x4000  }
0x78: {  	[sflag:s29] =	ssyncset.done $0x0  }
0x79: {  	[sflag:s29] =	ssyncadd.s32 $0xFFFFC000  }
.Ltmp0:
0x7a: {  	_ =	swait.ge [sflag:s30], $0x4000;
	(pc) =	sbr.rel @p0 .LBB2_2-.Ltmp0, $4  }
0x7b: {  	[sflag:s30] =	ssyncset.done $0x0  }
0x7c: {  	s6 =	sadd.s32 $0xFFFFFF80, s4;
	[sflag:s30] =	ssyncadd.s32 $0xFFFFC000  }
0x7d: {  	[tilespmem:s18], [sflag:$0x1] =	stream.indirect.gather [hbm4b:s1+s17], $0x80, s6, s17, $0xb8;
	[tilespmem:$0x16400] =	vst v63  }
0x7e: {  	s4 =	sadd.s32 $0x200, s4  }
0x7f: {  	[tilespmem:s19], [sflag:$0x2] =	stream.indirect.gather [hbm4b:s1+s17], $0x80, s24, s17, $0xb8;
	[tilespmem:$0x16400] =	vst v63  }
0x80: {  	_ =	swait.ge [sflag:s20], $0x4000  }
0x81: {  	[sflag:s20] =	ssyncset.done $0x0  }
0x82: {  	s4 =	rddreg [dreg:$0x5];
	[sflag:s20] =	ssyncadd.s32 $0xFFFFC000  }
0x83: {  	[hbm4b:s4+s3] =	stream.linear.scatter [tilespmem:s18], [sflag:$0x5], $0x4000, $0x38;
	[tilespmem:$0x16400] =	vst v63  }
0x84: {  	_ =	swait.ge [sflag:s21], $0x4000  }
0x85: {  	[sflag:s21] =	ssyncset.done $0x0  }
0x86: {  	s7 =	rddreg [dreg:$0x6];
	[sflag:s21] =	ssyncadd.s32 $0xFFFFC000  }
0x87: {  	[hbm4b:s7+s3] =	stream.linear.scatter [tilespmem:s19], [sflag:$0x6], $0x4000, $0x38;
	[tilespmem:$0x16400] =	vst v63  }
0x88: {  	_ =	swait.ge [sflag:s0], $0x4000  }
0x89: {  	[sflag:s0] =	ssyncset.done $0x0  }
0x8a: {  	[sflag:s0] =	ssyncadd.s32 $0xFFFFC000  }
0x8b: {  	_ =	swait.ge [sflag:s22], $0x4000  }
0x8c: {  	[sflag:s22] =	ssyncset.done $0x0  }
0x8d: {  	s24 =	simm.s32 $0x6300;
	[sflag:s22] =	ssyncadd.s32 $0xFFFFC000  }
0x8e: {  	[tilespmem:s23], [sflag:$0x3] =	stream.indirect.gather [hbm4b:s1+s17], $0x80, s24, s17, $0xb8;
	[tilespmem:$0x16400] =	vst v63  }
0x8f: {  	s31 =	simm.s32 $0x6380  }
0x90: {  	[tilespmem:s25], [sflag:$0x4] =	stream.indirect.gather [hbm4b:s1+s17], $0x80, s31, s17, $0xb8;
	[tilespmem:$0x16400] =	vst v63  }
0x91: {  	_ =	swait.ge [sflag:s26], $0x4000  }
0x92: {  	[sflag:s26] =	ssyncset.done $0x0  }
0x93: {  	[sflag:s26] =	ssyncadd.s32 $0xFFFFC000  }
0x94: {  	[hbm4b:s8+s3] =	stream.linear.scatter [tilespmem:s23], [sflag:$0x7], $0x4000, $0x38;
	[tilespmem:$0x16400] =	vst v63  }
0x95: {  	_ =	swait.ge [sflag:s28], $0x4000  }
0x96: {  	[sflag:s28] =	ssyncset.done $0x0  }
0x97: {  	[sflag:s28] =	ssyncadd.s32 $0xFFFFC000  }
0x98: {  	[hbm4b:s9+s3] =	stream.linear.scatter [tilespmem:s25], [sflag:$0x8], $0x4000, $0x38;
	[tilespmem:$0x16400] =	vst v63  }
0x99: {  	_ =	swait.ge [sflag:s29], $0x4000  }
0x9a: {  	[sflag:s29] =	ssyncset.done $0x0  }
0x9b: {  	[sflag:s29] =	ssyncadd.s32 $0xFFFFC000  }
0x9c: {  	_ =	swait.ge [sflag:s30], $0x4000  }
0x9d: {  	[sflag:s30] =	ssyncset.done $0x0  }
0x9e: {  	s2 =	sadd.s32 $0x1, s2;
	[sflag:s30] =	ssyncadd.s32 $0xFFFFC000  }
0x9f: {  	p0 =	sne.s32 s2, s10;
	_ =	swait.ge [sflag:s0], $0x4000  }
.Ltmp1:
0xa0: {  	[sflag:s0] =	ssyncset.done $0x0;
	(pc) =	sbr.rel @p0 .LBB2_1-.Ltmp1, $4  }
0xa1: {  	[sflag:s0] =	ssyncadd.s32 $0xFFFFC000  }
0xa2: {  	_ =	swait.ge [sflag:s22], $0x4000  }
0xa3: {  	[sflag:s22] =	ssyncset.done $0x0  }
0xa4: {  	[sflag:s22] =	ssyncadd.s32 $0xFFFFC000  }
0xa5: {  	_ =	sfence.sel $0x180000  }
0xa6: {  	[bflag:$0x0] =	sbarrier.arrive $0xFFFF  }
0xa7: {  	_ =	strace $0x90000047  }
0xa8: {  	s0 =	stileid.u32;
	[bflag:$0x2] =	sbarrier.arrive $0xFFFF  }
0xa9: {  	p0 =	sne.s32 s0, $0x0;
	s0 =	rddreg [dreg:$0x3]  }
0xaa: {  	s0 =	sadd.s32 @!p0 $0x100000, s0  }
0xab: {  	[sflag:s0] =	ssyncadd.tile.s32 @!p0 $0x1;
	_ =	shalt  }
.Lfunc_end2:
_tile_overlayer_lowered:
.L_overlay_start_2:
0xac: {  	(tag) =	ssettag $0x2  }
0xad: {  	s0 =	rddreg [dreg:$0x0];
	s2 =	stileid.u32  }
0xae: {  	s1 =	rddreg [dreg:$0x1];
	p0 =	sne.s32 s2, $0x0  }
0xaf: {  	s3 =	rddreg [dreg:$0x2];
	[bflag:$0x3] =	sbarrier.arrive $0xFFFF;
	s2 =	simm.s32 @!p0 $0x1C09  }
0xb0: {  	[timem:s3], [sflag:s2] =	dma.local @!p0 [hbm:s0], s1  }
0xb1: {  	s0 =	simm.s32 @!p0 $0x9  }
0xb2: {  	_ =	swait.ge @!p0 [sflag:s0], s1  }
0xb3: {  	s1 =	ssub.s32 @!p0 $0x0, s1;
	[sflag:s0] =	ssyncset.done @!p0 $0x0  }
0xb4: {  	[sflag:s0] =	ssyncadd.s32 @!p0 s1  }
0xb5: {  	[bflag:$0x3] =	sbarrier.arrive $0xFFFF  }
0xb6: {  	_ =	shalt  }

</sc_bundles>
